<compile_context>
chip_gen: v7x
topology: tpu7x:2x2x1
jax: 0.10.2.dev20260603
libtpu: 0.0.44.dev20260713+nightly
codegen_flags: <defaults>
</compile_context>

<pallas_src>
import functools

import jax
import jax.numpy as jnp
from jax import lax
from jax.experimental import pallas as pl
from jax.experimental.pallas import tpu as pltpu
from jax.experimental.pallas import tpu_sc as plsc

B = 16384
D = 32
V = 1000000
NC = 2
NS = 16
NW = NC * NS
L = 16

CW = 512
NCHUNK_MAIN = 61
CPW = 244
DUMP = B

_mesh = plsc.VectorSubcoreMesh(core_axis_name="c", subcore_axis_name="s")


@functools.partial(
    pl.kernel,
    mesh=_mesh,
    out_type=jax.ShapeDtypeStruct((B + 1, 128), jnp.float32),
    scratch_types=[
        pltpu.VMEM((B,), jnp.int32),
        pltpu.VMEM((B + L,), jnp.int32),
        pltpu.VMEM((B + L,), jnp.int32),
        pltpu.VMEM((B + L,), jnp.int32),
        pltpu.VMEM((B + L,), jnp.int32),
        pltpu.VMEM((2, D, CW), jnp.float32),
        pltpu.VMEM((2, L, 128), jnp.float32),
        pltpu.VMEM((2, L), jnp.int32),
        [pltpu.SemaphoreType.DMA] * 2,
        pltpu.SemaphoreType.DMA,
    ],
    compiler_params=pltpu.CompilerParams(needs_layout_passes=False),
)
def _gather_kernel(table_hbm, idx_hbm, out_hbm, idx_all, my_i, my_j, cl_i,
                   cl_j, sbuf, rowb, posb, fsems, ssem):
    wid = lax.axis_index("s") * NC + lax.axis_index("c")
    last = (wid == NW - 1).astype(jnp.int32)
    nchunk = NCHUNK_MAIN + 2 * last
    iota = lax.iota(jnp.int32, L)
    rows0 = iota
    rows1 = iota + L

    pltpu.sync_copy(idx_hbm, idx_all)

    def drain_one_scatter():
        pltpu.make_async_copy(
            table_hbm.at[pl.ds(0, L), pl.ds(0, 128)], rowb.at[0], ssem
        ).wait()

    lo = wid * CPW
    hi = lo + CPW + 5 * last

    def prefilter(k, off):
        iv = idx_all[pl.ds(k * L, L)]
        jv = iota + k * L
        c = lax.shift_right_logical(iv, 7)
        m = (c >= lo) & (c < hi)
        cnt = plsc.all_reduce_population_count(m)[0]
        plsc.store_compressed(my_i.at[pl.ds(off, L)], iv, mask=m)
        plsc.store_compressed(my_j.at[pl.ds(off, L)], jv, mask=m)
        return off + cnt

    count = lax.fori_loop(0, B // L, prefilter, 0)
    nstrip = lax.shift_right_logical(count + L - 1, 4)

    def chunk_off(g):
        main = (wid * NCHUNK_MAIN + g) * CW
        return jnp.where(g == NCHUNK_MAIN, 999424,
                         jnp.where(g == NCHUNK_MAIN + 1, 999552, main))

    def fire_chunk(g, b):
        off = pl.multiple_of(chunk_off(g), 128)
        pltpu.async_copy(
            table_hbm.at[:, pl.ds(off, CW)], sbuf.at[b], fsems[b]
        )

    fire_chunk(0, 0)

    def process(g, b, carry):
        off = chunk_off(g)
        base_c = lax.shift_right_logical(off, 7)
        sel_lo = jnp.where(g == NCHUNK_MAIN + 1, base_c + 3, base_c)
        sel_hi = jnp.where(g < nchunk, base_c + 4, base_c)

        def scan(k, coff):
            iv = my_i[pl.ds(k * L, L)]
            jv = my_j[pl.ds(k * L, L)]
            c = lax.shift_right_logical(iv, 7)
            m = (c >= sel_lo) & (c < sel_hi) & (iota + k * L < count)
            cnt = plsc.all_reduce_population_count(m)[0]
            plsc.store_compressed(cl_i.at[pl.ds(coff, L)], iv, mask=m)
            plsc.store_compressed(cl_j.at[pl.ds(coff, L)], jv, mask=m)
            return coff + cnt

        ccount = lax.fori_loop(0, nstrip, scan, 0)

        def extract(e, ec):
            ectr, posvec = ec
            i = cl_i[pl.ds(e, L)][0]
            j = cl_j[pl.ds(e, L)][0]
            colw = jnp.full((L,), i - off, jnp.int32)
            vals0 = plsc.load_gather(sbuf.at[b], [rows0, colw])
            vals1 = plsc.load_gather(sbuf.at[b], [rows1, colw])
            m = ectr & (L - 1)
            bb = lax.shift_right_logical(ectr, 4) & 1
            row = rowb.at[bb].at[m]
            row[pl.ds(0, L)] = vals0
            row[pl.ds(L, L)] = vals1
            posvec = jnp.where(iota == m, j, posvec)

            @pl.when(m == L - 1)
            def _():
                posb.at[bb][...] = posvec

                @pl.when(ectr >= 2 * L)
                def _():
                    drain_one_scatter()

                pltpu.async_copy(rowb.at[bb], out_hbm.at[posb.at[bb]], ssem)

            posvec = jnp.where(m == L - 1, jnp.full((L,), DUMP, jnp.int32),
                               posvec)
            return ectr + 1, posvec

        return lax.fori_loop(0, ccount, extract, carry)

    def pair_body(p, carry):
        for bs in range(2):
            g = 2 * p + bs

            @pl.when(g + 1 < nchunk)
            def _():
                fire_chunk(g + 1, 1 - bs)

            @pl.when(g < nchunk)
            def _():
                pltpu.make_async_copy(
                    table_hbm.at[:, pl.ds(0, CW)], sbuf.at[bs], fsems[bs]
                ).wait()

            carry = process(g, bs, carry)
        return carry

    posvec0 = jnp.full((L,), DUMP, jnp.int32)
    ectr, posvec = lax.fori_loop(0, (NCHUNK_MAIN + 3) // 2, pair_body,
                                 (0, posvec0))

    nfull = lax.shift_right_logical(ectr, 4)

    @pl.when((ectr & (L - 1)) != 0)
    def _():
        bb = nfull & 1
        posb.at[bb][...] = posvec

        @pl.when(nfull >= 2)
        def _():
            drain_one_scatter()

        pltpu.async_copy(rowb.at[bb], out_hbm.at[posb.at[bb]], ssem)

    nfired = lax.shift_right_logical(ectr + L - 1, 4)
    ndrain = jnp.minimum(nfired, 2)

    def drain(_, carry):
        drain_one_scatter()
        return carry

    lax.fori_loop(0, ndrain, drain, 0)


def kernel(node_embeddings, object_indices):
    table_t = node_embeddings.T
    idx = object_indices.astype(jnp.int32)
    out4 = _gather_kernel(table_t, idx)
    return out4[:B, :D]

# --- scband reference (transcript-rebuilt; emitter-appended) ---
"""Pipeline reference for scband-object-embedding-readout-3212635537903 (READ-ONLY COPY).

The authoritative reference and input builder live on the scoring server;
editing this copy changes nothing except your own understanding.
"""

import jax, jax.numpy as jnp
import numpy as np


def setup_inputs(seed: int = 0) -> dict:
    key = jax.random.key(seed)
    k1, k2 = jax.random.split(key)
    node_embeddings = jax.random.normal(k1, (1000000, 32), dtype=jnp.float32)
    object_indices = jax.random.randint(k2, (16384,), 0, 1000000, dtype=jnp.int64)
    return {"node_embeddings": node_embeddings, "object_indices": object_indices}


def reference(node_embeddings, object_indices):
    # Faithful translation of node_embeddings.index_select(0, input.object_indices)
    return jnp.take(node_embeddings, object_indices, axis=0)

if __name__ == "__main__":
    import jax
    _d = setup_inputs()
    print(jax.jit(kernel)(*tuple(_d.values())))

</pallas_src>

<mosaic_0001>
#map = affine_map<(d0, d1) -> (0, 0)>
#map1 = affine_map<(d0, d1) -> (0)>
module attributes {stable_mosaic.version = 14 : i64} {
  func.func @_gather_kernel(%arg0: i32, %arg1: i32, %arg2: memref<32x1000000xf32, #tpu.memory_space<hbm>>, %arg3: memref<16384xi32, #tpu.memory_space<hbm>>, %arg4: memref<16385x128xf32, #tpu.memory_space<hbm>>, %arg5: memref<16384xi32, #tpu.memory_space<vmem>>, %arg6: memref<16400xi32, #tpu.memory_space<vmem>>, %arg7: memref<16400xi32, #tpu.memory_space<vmem>>, %arg8: memref<16400xi32, #tpu.memory_space<vmem>>, %arg9: memref<16400xi32, #tpu.memory_space<vmem>>, %arg10: memref<2x32x512xf32, #tpu.memory_space<vmem>>, %arg11: memref<2x16x128xf32, #tpu.memory_space<vmem>>, %arg12: memref<2x16xi32, #tpu.memory_space<vmem>>, %arg13: memref<!tpu.dma_semaphore, #tpu.memory_space<semaphore_mem>>, %arg14: memref<!tpu.dma_semaphore, #tpu.memory_space<semaphore_mem>>, %arg15: memref<!tpu.dma_semaphore, #tpu.memory_space<semaphore_mem>>) attributes {dimension_semantics = [#tpu.dimension_semantics<core_parallel>, #tpu.dimension_semantics<subcore_parallel>], iteration_bounds = array<i64: 2, 16>, scalar_prefetch = 0 : i64, scratch_operands = 11 : i64, tpu.core_type = #tpu.core_type<sc_vector_subcore>, window_params = [{transform_indices = #map}, {transform_indices = #map1}, {transform_indices = #map}]} {
    %mul3A = arith.constant 2 : i32
    %mul3A_0 = arith.muli %arg1, %mul3A : i32
    %add3A = arith.addi %mul3A_0, %arg0 : i32
    %eq3A = arith.constant 31 : i32
    %eq3A_1 = arith.cmpi eq, %add3A, %eq3A : i32
    %convert_element_type3A = arith.extui %eq3A_1 : i1 to i32
    %mul3A_2 = arith.constant 2 : i32
    %mul3A_3 = arith.muli %mul3A_2, %convert_element_type3A : i32
    %add3A_4 = arith.constant 61 : i32
    %add3A_5 = arith.addi %add3A_4, %mul3A_3 : i32
    %iota3A = tpu.iota {dimensions = array<i32: 0>} : vector<16xi32>
    %add3A_6 = arith.constant 16 : i32
    %add3A_7 = vector.broadcast %add3A_6 : i32 to vector<16xi32>
    %add3A_8 = arith.addi %iota3A, %add3A_7 : vector<16xi32>
    "tpu.region"() ({
      %run_scoped3A = tpu.sem_alloc : memref<!tpu.dma_semaphore, #tpu.memory_space<semaphore_mem>>
      tpu.enqueue_dma source(%arg3 : memref<16384xi32, #tpu.memory_space<hbm>>) target(%arg5 : memref<16384xi32, #tpu.memory_space<vmem>>) target_semaphore(%run_scoped3A : memref<!tpu.dma_semaphore, #tpu.memory_space<semaphore_mem>>)
      tpu.wait_dma2 semaphore(%run_scoped3A : memref<!tpu.dma_semaphore, #tpu.memory_space<semaphore_mem>>) src(%arg3 : memref<16384xi32, #tpu.memory_space<hbm>>) dst(%arg5 : memref<16384xi32, #tpu.memory_space<vmem>>)
      tpu.yield
    }) : () -> ()
    %mul3A_9 = arith.constant 244 : i32
    %mul3A_10 = arith.muli %add3A, %mul3A_9 : i32
    %add3A_11 = arith.constant 244 : i32
    %add3A_12 = arith.addi %mul3A_10, %add3A_11 : i32
    %mul3A_13 = arith.constant 5 : i32
    %mul3A_14 = arith.muli %mul3A_13, %convert_element_type3A : i32
    %add3A_15 = arith.addi %add3A_12, %mul3A_14 : i32
    %scan3A = arith.constant 0 : i32
    %scan3A_16 = arith.constant 0 : i32
    %scan3A_17 = arith.constant 1024 : i32
    %scan3A_18 = arith.addi %scan3A_16, %scan3A_17 : i32
    %scan3A_19 = arith.constant 1 : i32
    %scan3A_20 = scf.for %scan3A_78 = %scan3A_16 to %scan3A_18 step %scan3A_19 iter_args(%scan3A_79 = %scan3A) -> (i32)  : i32 {
      %mul3A_80 = arith.constant 16 : i32
      %mul3A_81 = arith.muli %scan3A_78, %mul3A_80 : i32
      %get3A = arith.index_cast %mul3A_81 : i32 to index
      %get3A_82 = tpu.vector_load %arg5[%get3A] {strides = array<i32>} : memref<16384xi32, #tpu.memory_space<vmem>>, vector<16xi32>,
      %mul3A_83 = arith.constant 16 : i32
      %mul3A_84 = arith.muli %scan3A_78, %mul3A_83 : i32
      %add3A_85 = vector.broadcast %mul3A_84 : i32 to vector<16xi32>
      %add3A_86 = arith.addi %iota3A, %add3A_85 : vector<16xi32>
      %shift_right_logical3A_87 = arith.constant 7 : i32
      %shift_right_logical3A_88 = vector.broadcast %shift_right_logical3A_87 : i32 to vector<16xi32>
      %shift_right_logical3A_89 = arith.shrui %get3A_82, %shift_right_logical3A_88 : vector<16xi32>
      %ge3A = vector.broadcast %mul3A_10 : i32 to vector<16xi32>
      %ge3A_90 = arith.cmpi sge, %shift_right_logical3A_89, %ge3A : vector<16xi32>
      %lt3A = vector.broadcast %add3A_15 : i32 to vector<16xi32>
      %lt3A_91 = arith.cmpi slt, %shift_right_logical3A_89, %lt3A : vector<16xi32>
      %and3A_92 = arith.andi %ge3A_90, %lt3A_91 : vector<16xi1>
      %all_reduce_population_count3A = tpu.all_reduce %and3A_92 {dim = 0 : i64, kind = #tpu.reduction_kind<sum>} : vector<16xi1> -> vector<16xi32>
      %slice3A = vector.extract_strided_slice %all_reduce_population_count3A {offsets = [0], sizes = [1], strides = [1]} : vector<16xi32> to vector<1xi32>
      %squeeze3A = vector.extract %slice3A[0] : i32 from vector<1xi32>
      %swap3A = arith.index_cast %scan3A_79 : i32 to index
      %swap3A_93 = tpu.vector_load %arg6[%swap3A] masked %and3A_92 {strides = array<i32>} : memref<16400xi32, #tpu.memory_space<vmem>>, vector<16xi32>, vector<16xi1>
      tpu.vector_store %arg6[%swap3A], %get3A_82 masked %and3A_92 {strides = array<i32>} : memref<16400xi32, #tpu.memory_space<vmem>>, vector<16xi32>, vector<16xi1>
      %swap3A_94 = arith.index_cast %scan3A_79 : i32 to index
      %swap3A_95 = tpu.vector_load %arg7[%swap3A_94] masked %and3A_92 {strides = array<i32>} : memref<16400xi32, #tpu.memory_space<vmem>>, vector<16xi32>, vector<16xi1>
      tpu.vector_store %arg7[%swap3A_94], %add3A_86 masked %and3A_92 {strides = array<i32>} : memref<16400xi32, #tpu.memory_space<vmem>>, vector<16xi32>, vector<16xi1>
      %add3A_96 = arith.addi %scan3A_79, %squeeze3A : i32
      scf.yield %add3A_96 : i32
    }
    %scan3A_21 = arith.constant 1024 : i32
    %add3A_22 = arith.constant 16 : i32
    %add3A_23 = arith.addi %scan3A_20, %add3A_22 : i32
    %sub3A = arith.constant 1 : i32
    %sub3A_24 = arith.subi %add3A_23, %sub3A : i32
    %shift_right_logical3A = arith.constant 4 : i32
    %shift_right_logical3A_25 = arith.shrui %sub3A_24, %shift_right_logical3A : i32
    %mul3A_26 = arith.constant 61 : i32
    %mul3A_27 = arith.muli %add3A, %mul3A_26 : i32
    %add3A_28 = arith.constant 0 : i32
    %add3A_29 = arith.addi %mul3A_27, %add3A_28 : i32
    %mul3A_30 = arith.constant 512 : i32
    %mul3A_31 = arith.muli %add3A_29, %mul3A_30 : i32
    %jit3A = arith.constant false
    %jit3A_32 = arith.constant 999552 : i32
    %select_n3A = arith.select %jit3A, %jit3A_32, %mul3A_31 : i32
    %jit3A_33 = arith.constant false
    %jit3A_34 = arith.constant 999424 : i32
    %select_n3A_35 = arith.select %jit3A_33, %jit3A_34, %select_n3A : i32
    %multiple_of3A = tpu.assume_multiple %select_n3A_35, 128 : i32
    %dma_start3A = arith.constant 0 : i32
    %dma_start3A_36 = arith.constant 0 : i32
    %dma_start3A_37 = arith.constant 0 : i32
    %dma_start3A_38 = tpu.memref_slice %arg10[%dma_start3A, %dma_start3A_36, %dma_start3A_37] : memref<2x32x512xf32, #tpu.memory_space<vmem>> -> memref<1x32x512xf32, #tpu.memory_space<vmem>>
    %dma_start3A_39 = tpu.memref_squeeze %dma_start3A_38 : memref<1x32x512xf32, #tpu.memory_space<vmem>> -> memref<32x512xf32, #tpu.memory_space<vmem>>
    %dma_start3A_40 = arith.constant 0 : i32
    %dma_start3A_41 = tpu.memref_slice %arg2[%dma_start3A_40, %multiple_of3A] : memref<32x1000000xf32, #tpu.memory_space<hbm>> -> memref<32x512xf32, #tpu.memory_space<hbm>>
    %dma_start3A_42 = arith.constant 0 : i32
    %dma_start3A_43 = arith.constant 0 : i32
    %dma_start3A_44 = tpu.memref_slice %arg10[%dma_start3A, %dma_start3A_42, %dma_start3A_43] : memref<2x32x512xf32, #tpu.memory_space<vmem>> -> memref<1x32x512xf32, #tpu.memory_space<vmem>>
    %dma_start3A_45 = tpu.memref_squeeze %dma_start3A_44 : memref<1x32x512xf32, #tpu.memory_space<vmem>> -> memref<32x512xf32, #tpu.memory_space<vmem>>
    %dma_start3A_46 = arith.constant 0 : i32
    %dma_start3A_47 = tpu.memref_slice %arg2[%dma_start3A_46, %multiple_of3A] : memref<32x1000000xf32, #tpu.memory_space<hbm>> -> memref<32x512xf32, #tpu.memory_space<hbm>>
    tpu.enqueue_dma source(%dma_start3A_47 : memref<32x512xf32, #tpu.memory_space<hbm>>) target(%dma_start3A_45 : memref<32x512xf32, #tpu.memory_space<vmem>>) target_semaphore(%arg13 : memref<!tpu.dma_semaphore, #tpu.memory_space<semaphore_mem>>)
    %broadcast_in_dim3A = arith.constant 16384 : i32
    %broadcast_in_dim3A_48 = vector.broadcast %broadcast_in_dim3A : i32 to vector<16xi32>
    %scan3A_49 = arith.constant 0 : i32
    %scan3A_50 = arith.constant 0 : i32
    %scan3A_51 = arith.constant 32 : i32
    %scan3A_52 = arith.addi %scan3A_50, %scan3A_51 : i32
    %scan3A_53 = arith.constant 1 : i32
    %scan3A_54:2 = scf.for %scan3A_78 = %scan3A_50 to %scan3A_52 step %scan3A_53 iter_args(%scan3A_79 = %scan3A_49, %scan3A_80 = %broadcast_in_dim3A_48) -> (i32, vector<16xi32>)  : i32 {
      %mul3A_81 = arith.constant 2 : i32
      %mul3A_82 = arith.muli %mul3A_81, %scan3A_78 : i32
      %add3A_83 = arith.constant 0 : i32
      %add3A_84 = arith.addi %mul3A_82, %add3A_83 : i32
      %add3A_85 = arith.constant 1 : i32
      %add3A_86 = arith.addi %add3A_84, %add3A_85 : i32
      %lt3A = arith.cmpi slt, %add3A_86, %add3A_5 : i32
      %convert_element_type3A_87 = arith.extui %lt3A : i1 to i32
      %cond3A_88 = arith.constant 0 : i32
      %cond3A_89 = arith.cmpi ne, %convert_element_type3A_87, %cond3A_88 : i32
      scf.if %cond3A_89 {
        %add3A_202 = arith.constant 1 : i32
        %add3A_203 = arith.addi %add3A_84, %add3A_202 : i32
        %mul3A_204 = arith.constant 61 : i32
        %mul3A_205 = arith.muli %add3A, %mul3A_204 : i32
        %add3A_206 = arith.addi %mul3A_205, %add3A_203 : i32
        %mul3A_207 = arith.constant 512 : i32
        %mul3A_208 = arith.muli %add3A_206, %mul3A_207 : i32
        %eq3A_209 = arith.constant 61 : i32
        %eq3A_210 = arith.cmpi eq, %add3A_203, %eq3A_209 : i32
        %eq3A_211 = arith.constant 62 : i32
        %eq3A_212 = arith.cmpi eq, %add3A_203, %eq3A_211 : i32
        %jit3A_213 = arith.constant 999552 : i32
        %select_n3A_214 = arith.select %eq3A_212, %jit3A_213, %mul3A_208 : i32
        %jit3A_215 = arith.constant 999424 : i32
        %select_n3A_216 = arith.select %eq3A_210, %jit3A_215, %select_n3A_214 : i32
        %multiple_of3A_217 = tpu.assume_multiple %select_n3A_216, 128 : i32
        %dma_start3A_218 = arith.constant 1 : i32
        %dma_start3A_219 = arith.constant 0 : i32
        %dma_start3A_220 = arith.constant 0 : i32
        %dma_start3A_221 = tpu.memref_slice %arg10[%dma_start3A_218, %dma_start3A_219, %dma_start3A_220] : memref<2x32x512xf32, #tpu.memory_space<vmem>> -> memref<1x32x512xf32, #tpu.memory_space<vmem>>
        %dma_start3A_222 = tpu.memref_squeeze %dma_start3A_221 : memref<1x32x512xf32, #tpu.memory_space<vmem>> -> memref<32x512xf32, #tpu.memory_space<vmem>>
        %dma_start3A_223 = arith.constant 0 : i32
        %dma_start3A_224 = tpu.memref_slice %arg2[%dma_start3A_223, %multiple_of3A_217] : memref<32x1000000xf32, #tpu.memory_space<hbm>> -> memref<32x512xf32, #tpu.memory_space<hbm>>
        %dma_start3A_225 = arith.constant 0 : i32
        %dma_start3A_226 = arith.constant 0 : i32
        %dma_start3A_227 = tpu.memref_slice %arg10[%dma_start3A_218, %dma_start3A_225, %dma_start3A_226] : memref<2x32x512xf32, #tpu.memory_space<vmem>> -> memref<1x32x512xf32, #tpu.memory_space<vmem>>
        %dma_start3A_228 = tpu.memref_squeeze %dma_start3A_227 : memref<1x32x512xf32, #tpu.memory_space<vmem>> -> memref<32x512xf32, #tpu.memory_space<vmem>>
        %dma_start3A_229 = arith.constant 0 : i32
        %dma_start3A_230 = tpu.memref_slice %arg2[%dma_start3A_229, %multiple_of3A_217] : memref<32x1000000xf32, #tpu.memory_space<hbm>> -> memref<32x512xf32, #tpu.memory_space<hbm>>
        tpu.enqueue_dma source(%dma_start3A_230 : memref<32x512xf32, #tpu.memory_space<hbm>>) target(%dma_start3A_228 : memref<32x512xf32, #tpu.memory_space<vmem>>) target_semaphore(%arg14 : memref<!tpu.dma_semaphore, #tpu.memory_space<semaphore_mem>>)
      } else {
      }
      %lt3A_90 = arith.cmpi slt, %add3A_84, %add3A_5 : i32
      %convert_element_type3A_91 = arith.extui %lt3A_90 : i1 to i32
      %cond3A_92 = arith.constant 0 : i32
      %cond3A_93 = arith.cmpi ne, %convert_element_type3A_91, %cond3A_92 : i32
      scf.if %cond3A_93 {
        %dma_wait3A = arith.constant 0 : i32
        %dma_wait3A_202 = arith.constant 0 : i32
        %dma_wait3A_203 = arith.constant 0 : i32
        %dma_wait3A_204 = tpu.memref_slice %arg10[%dma_wait3A, %dma_wait3A_202, %dma_wait3A_203] : memref<2x32x512xf32, #tpu.memory_space<vmem>> -> memref<1x32x512xf32, #tpu.memory_space<vmem>>
        %dma_wait3A_205 = tpu.memref_squeeze %dma_wait3A_204 : memref<1x32x512xf32, #tpu.memory_space<vmem>> -> memref<32x512xf32, #tpu.memory_space<vmem>>
        %dma_wait3A_206 = arith.constant 0 : i32
        %dma_wait3A_207 = arith.constant 0 : i32
        %dma_wait3A_208 = tpu.memref_slice %arg2[%dma_wait3A_206, %dma_wait3A_207] : memref<32x1000000xf32, #tpu.memory_space<hbm>> -> memref<32x512xf32, #tpu.memory_space<hbm>>
        %dma_wait3A_209 = arith.constant 0 : i32
        %dma_wait3A_210 = arith.constant 0 : i32
        %dma_wait3A_211 = tpu.memref_slice %arg10[%dma_wait3A, %dma_wait3A_209, %dma_wait3A_210] : memref<2x32x512xf32, #tpu.memory_space<vmem>> -> memref<1x32x512xf32, #tpu.memory_space<vmem>>
        %dma_wait3A_212 = tpu.memref_squeeze %dma_wait3A_211 : memref<1x32x512xf32, #tpu.memory_space<vmem>> -> memref<32x512xf32, #tpu.memory_space<vmem>>
        %dma_wait3A_213 = arith.constant 0 : i32
        %dma_wait3A_214 = arith.constant 0 : i32
        %dma_wait3A_215 = tpu.memref_slice %arg2[%dma_wait3A_213, %dma_wait3A_214] : memref<32x1000000xf32, #tpu.memory_space<hbm>> -> memref<32x512xf32, #tpu.memory_space<hbm>>
        tpu.wait_dma2 semaphore(%arg13 : memref<!tpu.dma_semaphore, #tpu.memory_space<semaphore_mem>>) src(%dma_wait3A_215 : memref<32x512xf32, #tpu.memory_space<hbm>>) dst(%dma_wait3A_212 : memref<32x512xf32, #tpu.memory_space<vmem>>)
      } else {
      }
      %mul3A_94 = arith.constant 61 : i32
      %mul3A_95 = arith.muli %add3A, %mul3A_94 : i32
      %add3A_96 = arith.addi %mul3A_95, %add3A_84 : i32
      %mul3A_97 = arith.constant 512 : i32
      %mul3A_98 = arith.muli %add3A_96, %mul3A_97 : i32
      %eq3A_99 = arith.constant 61 : i32
      %eq3A_100 = arith.cmpi eq, %add3A_84, %eq3A_99 : i32
      %eq3A_101 = arith.constant 62 : i32
      %eq3A_102 = arith.cmpi eq, %add3A_84, %eq3A_101 : i32
      %jit3A_103 = arith.constant 999552 : i32
      %select_n3A_104 = arith.select %eq3A_102, %jit3A_103, %mul3A_98 : i32
      %jit3A_105 = arith.constant 999424 : i32
      %select_n3A_106 = arith.select %eq3A_100, %jit3A_105, %select_n3A_104 : i32
      %shift_right_logical3A_107 = arith.constant 7 : i32
      %shift_right_logical3A_108 = arith.shrui %select_n3A_106, %shift_right_logical3A_107 : i32
      %eq3A_109 = arith.constant 62 : i32
      %eq3A_110 = arith.cmpi eq, %add3A_84, %eq3A_109 : i32
      %add3A_111 = arith.constant 3 : i32
      %add3A_112 = arith.addi %shift_right_logical3A_108, %add3A_111 : i32
      %select_n3A_113 = arith.select %eq3A_110, %add3A_112, %shift_right_logical3A_108 : i32
      %lt3A_114 = arith.cmpi slt, %add3A_84, %add3A_5 : i32
      %add3A_115 = arith.constant 4 : i32
      %add3A_116 = arith.addi %shift_right_logical3A_108, %add3A_115 : i32
      %select_n3A_117 = arith.select %lt3A_114, %add3A_116, %shift_right_logical3A_108 : i32
      %while3A_118 = arith.constant 0 : i32
      %while3A_119 = arith.constant 0 : i32
      %while3A_120 = arith.subi %shift_right_logical3A_25, %while3A_118 : i32
      %while3A_121 = arith.addi %while3A_118, %while3A_120 : i32
      %while3A_122 = arith.constant 1 : i32
      %while3A_123 = arith.divsi %while3A_120, %while3A_122 : i32
      %while3A_124 = arith.muli %while3A_123, %while3A_122 : i32
      %while3A_125 = arith.addi %while3A_118, %while3A_124 : i32
      %while3A_126 = arith.constant 1 : i32
      %while3A_127 = scf.for %while3A_202 = %while3A_118 to %while3A_125 step %while3A_126 iter_args(%while3A_203 = %while3A_119) -> (i32)  : i32 {
        %mul3A_204 = arith.constant 16 : i32
        %mul3A_205 = arith.muli %while3A_202, %mul3A_204 : i32
        %get3A = arith.index_cast %mul3A_205 : i32 to index
        %get3A_206 = tpu.vector_load %arg6[%get3A] {strides = array<i32>} : memref<16400xi32, #tpu.memory_space<vmem>>, vector<16xi32>,
        %mul3A_207 = arith.constant 16 : i32
        %mul3A_208 = arith.muli %while3A_202, %mul3A_207 : i32
        %get3A_209 = arith.index_cast %mul3A_208 : i32 to index
        %get3A_210 = tpu.vector_load %arg7[%get3A_209] {strides = array<i32>} : memref<16400xi32, #tpu.memory_space<vmem>>, vector<16xi32>,
        %shift_right_logical3A_211 = arith.constant 7 : i32
        %shift_right_logical3A_212 = vector.broadcast %shift_right_logical3A_211 : i32 to vector<16xi32>
        %shift_right_logical3A_213 = arith.shrui %get3A_206, %shift_right_logical3A_212 : vector<16xi32>
        %ge3A = vector.broadcast %select_n3A_113 : i32 to vector<16xi32>
        %ge3A_214 = arith.cmpi sge, %shift_right_logical3A_213, %ge3A : vector<16xi32>
        %lt3A_215 = vector.broadcast %select_n3A_117 : i32 to vector<16xi32>
        %lt3A_216 = arith.cmpi slt, %shift_right_logical3A_213, %lt3A_215 : vector<16xi32>
        %and3A_217 = arith.andi %ge3A_214, %lt3A_216 : vector<16xi1>
        %mul3A_218 = arith.constant 16 : i32
        %mul3A_219 = arith.muli %while3A_202, %mul3A_218 : i32
        %add3A_220 = vector.broadcast %mul3A_219 : i32 to vector<16xi32>
        %add3A_221 = arith.addi %iota3A, %add3A_220 : vector<16xi32>
        %lt3A_222 = vector.broadcast %scan3A_20 : i32 to vector<16xi32>
        %lt3A_223 = arith.cmpi slt, %add3A_221, %lt3A_222 : vector<16xi32>
        %and3A_224 = arith.andi %and3A_217, %lt3A_223 : vector<16xi1>
        %all_reduce_population_count3A = tpu.all_reduce %and3A_224 {dim = 0 : i64, kind = #tpu.reduction_kind<sum>} : vector<16xi1> -> vector<16xi32>
        %slice3A = vector.extract_strided_slice %all_reduce_population_count3A {offsets = [0], sizes = [1], strides = [1]} : vector<16xi32> to vector<1xi32>
        %squeeze3A = vector.extract %slice3A[0] : i32 from vector<1xi32>
        %swap3A = arith.index_cast %while3A_203 : i32 to index
        %swap3A_225 = tpu.vector_load %arg8[%swap3A] masked %and3A_224 {strides = array<i32>} : memref<16400xi32, #tpu.memory_space<vmem>>, vector<16xi32>, vector<16xi1>
        tpu.vector_store %arg8[%swap3A], %get3A_206 masked %and3A_224 {strides = array<i32>} : memref<16400xi32, #tpu.memory_space<vmem>>, vector<16xi32>, vector<16xi1>
        %swap3A_226 = arith.index_cast %while3A_203 : i32 to index
        %swap3A_227 = tpu.vector_load %arg9[%swap3A_226] masked %and3A_224 {strides = array<i32>} : memref<16400xi32, #tpu.memory_space<vmem>>, vector<16xi32>, vector<16xi1>
        tpu.vector_store %arg9[%swap3A_226], %get3A_210 masked %and3A_224 {strides = array<i32>} : memref<16400xi32, #tpu.memory_space<vmem>>, vector<16xi32>, vector<16xi1>
        %add3A_228 = arith.addi %while3A_203, %squeeze3A : i32
        scf.yield %add3A_228 : i32
      }
      %while3A_128 = arith.constant 1 : i32
      %while3A_129 = scf.for %while3A_202 = %while3A_125 to %while3A_121 step %while3A_128 iter_args(%while3A_203 = %while3A_127) -> (i32)  : i32 {
        %mul3A_204 = arith.constant 16 : i32
        %mul3A_205 = arith.muli %while3A_202, %mul3A_204 : i32
        %get3A = arith.index_cast %mul3A_205 : i32 to index
        %get3A_206 = tpu.vector_load %arg6[%get3A] {strides = array<i32>} : memref<16400xi32, #tpu.memory_space<vmem>>, vector<16xi32>,
        %mul3A_207 = arith.constant 16 : i32
        %mul3A_208 = arith.muli %while3A_202, %mul3A_207 : i32
        %get3A_209 = arith.index_cast %mul3A_208 : i32 to index
        %get3A_210 = tpu.vector_load %arg7[%get3A_209] {strides = array<i32>} : memref<16400xi32, #tpu.memory_space<vmem>>, vector<16xi32>,
        %shift_right_logical3A_211 = arith.constant 7 : i32
        %shift_right_logical3A_212 = vector.broadcast %shift_right_logical3A_211 : i32 to vector<16xi32>
        %shift_right_logical3A_213 = arith.shrui %get3A_206, %shift_right_logical3A_212 : vector<16xi32>
        %ge3A = vector.broadcast %select_n3A_113 : i32 to vector<16xi32>
        %ge3A_214 = arith.cmpi sge, %shift_right_logical3A_213, %ge3A : vector<16xi32>
        %lt3A_215 = vector.broadcast %select_n3A_117 : i32 to vector<16xi32>
        %lt3A_216 = arith.cmpi slt, %shift_right_logical3A_213, %lt3A_215 : vector<16xi32>
        %and3A_217 = arith.andi %ge3A_214, %lt3A_216 : vector<16xi1>
        %mul3A_218 = arith.constant 16 : i32
        %mul3A_219 = arith.muli %while3A_202, %mul3A_218 : i32
        %add3A_220 = vector.broadcast %mul3A_219 : i32 to vector<16xi32>
        %add3A_221 = arith.addi %iota3A, %add3A_220 : vector<16xi32>
        %lt3A_222 = vector.broadcast %scan3A_20 : i32 to vector<16xi32>
        %lt3A_223 = arith.cmpi slt, %add3A_221, %lt3A_222 : vector<16xi32>
        %and3A_224 = arith.andi %and3A_217, %lt3A_223 : vector<16xi1>
        %all_reduce_population_count3A = tpu.all_reduce %and3A_224 {dim = 0 : i64, kind = #tpu.reduction_kind<sum>} : vector<16xi1> -> vector<16xi32>
        %slice3A = vector.extract_strided_slice %all_reduce_population_count3A {offsets = [0], sizes = [1], strides = [1]} : vector<16xi32> to vector<1xi32>
        %squeeze3A = vector.extract %slice3A[0] : i32 from vector<1xi32>
        %swap3A = arith.index_cast %while3A_203 : i32 to index
        %swap3A_225 = tpu.vector_load %arg8[%swap3A] masked %and3A_224 {strides = array<i32>} : memref<16400xi32, #tpu.memory_space<vmem>>, vector<16xi32>, vector<16xi1>
        tpu.vector_store %arg8[%swap3A], %get3A_206 masked %and3A_224 {strides = array<i32>} : memref<16400xi32, #tpu.memory_space<vmem>>, vector<16xi32>, vector<16xi1>
        %swap3A_226 = arith.index_cast %while3A_203 : i32 to index
        %swap3A_227 = tpu.vector_load %arg9[%swap3A_226] masked %and3A_224 {strides = array<i32>} : memref<16400xi32, #tpu.memory_space<vmem>>, vector<16xi32>, vector<16xi1>
        tpu.vector_store %arg9[%swap3A_226], %get3A_210 masked %and3A_224 {strides = array<i32>} : memref<16400xi32, #tpu.memory_space<vmem>>, vector<16xi32>, vector<16xi1>
        %add3A_228 = arith.addi %while3A_203, %squeeze3A : i32
        scf.yield %add3A_228 : i32
      }
      %while3A_130 = arith.constant 0 : i32
      %while3A_131 = arith.subi %while3A_129, %while3A_130 : i32
      %while3A_132 = arith.addi %while3A_130, %while3A_131 : i32
      %while3A_133 = arith.constant 1 : i32
      %while3A_134 = arith.divsi %while3A_131, %while3A_133 : i32
      %while3A_135 = arith.muli %while3A_134, %while3A_133 : i32
      %while3A_136 = arith.addi %while3A_130, %while3A_135 : i32
      %while3A_137 = arith.constant 1 : i32
      %while3A_138:2 = scf.for %while3A_202 = %while3A_130 to %while3A_136 step %while3A_137 iter_args(%while3A_203 = %scan3A_79, %while3A_204 = %scan3A_80) -> (i32, vector<16xi32>)  : i32 {
        %get3A = arith.index_cast %while3A_202 : i32 to index
        %get3A_205 = tpu.vector_load %arg8[%get3A] {strides = array<i32>} : memref<16400xi32, #tpu.memory_space<vmem>>, vector<16xi32>,
        %slice3A = vector.extract_strided_slice %get3A_205 {offsets = [0], sizes = [1], strides = [1]} : vector<16xi32> to vector<1xi32>
        %squeeze3A = vector.extract %slice3A[0] : i32 from vector<1xi32>
        %get3A_206 = arith.index_cast %while3A_202 : i32 to index
        %get3A_207 = tpu.vector_load %arg9[%get3A_206] {strides = array<i32>} : memref<16400xi32, #tpu.memory_space<vmem>>, vector<16xi32>,
        %slice3A_208 = vector.extract_strided_slice %get3A_207 {offsets = [0], sizes = [1], strides = [1]} : vector<16xi32> to vector<1xi32>
        %squeeze3A_209 = vector.extract %slice3A_208[0] : i32 from vector<1xi32>
        %sub3A_210 = arith.subi %squeeze3A, %select_n3A_106 : i32
        %broadcast_in_dim3A_211 = vector.broadcast %sub3A_210 : i32 to vector<16xi32>
        %gather3A = arith.constant 0 : i32
        %gather3A_212 = arith.constant 0 : i32
        %gather3A_213 = arith.constant 0 : i32
        %gather3A_214 = tpu.memref_slice %arg10[%gather3A, %gather3A_212, %gather3A_213] : memref<2x32x512xf32, #tpu.memory_space<vmem>> -> memref<1x32x512xf32, #tpu.memory_space<vmem>>
        %gather3A_215 = tpu.memref_squeeze %gather3A_214 : memref<1x32x512xf32, #tpu.memory_space<vmem>> -> memref<32x512xf32, #tpu.memory_space<vmem>>
        %gather3A_216 = tpu.vector_load_idx %gather3A_215[%iota3A, %broadcast_in_dim3A_211] : memref<32x512xf32, #tpu.memory_space<vmem>>[vector<16xi32>, vector<16xi32>], vector<16xf32>,
        %gather3A_217 = arith.constant 0 : i32
        %gather3A_218 = arith.constant 0 : i32
        %gather3A_219 = arith.constant 0 : i32
        %gather3A_220 = tpu.memref_slice %arg10[%gather3A_217, %gather3A_218, %gather3A_219] : memref<2x32x512xf32, #tpu.memory_space<vmem>> -> memref<1x32x512xf32, #tpu.memory_space<vmem>>
        %gather3A_221 = tpu.memref_squeeze %gather3A_220 : memref<1x32x512xf32, #tpu.memory_space<vmem>> -> memref<32x512xf32, #tpu.memory_space<vmem>>
        %gather3A_222 = tpu.vector_load_idx %gather3A_221[%add3A_8, %broadcast_in_dim3A_211] : memref<32x512xf32, #tpu.memory_space<vmem>>[vector<16xi32>, vector<16xi32>], vector<16xf32>,
        %and3A_223 = arith.constant 15 : i32
        %and3A_224 = arith.andi %while3A_203, %and3A_223 : i32
        %shift_right_logical3A_225 = arith.constant 4 : i32
        %shift_right_logical3A_226 = arith.shrui %while3A_203, %shift_right_logical3A_225 : i32
        %and3A_227 = arith.constant 1 : i32
        %and3A_228 = arith.andi %shift_right_logical3A_226, %and3A_227 : i32
        %swap3A = arith.constant 0 : i32
        %swap3A_229 = arith.constant 0 : i32
        %swap3A_230 = tpu.memref_slice %arg11[%and3A_228, %swap3A, %swap3A_229] : memref<2x16x128xf32, #tpu.memory_space<vmem>> -> memref<1x16x128xf32, #tpu.memory_space<vmem>>
        %swap3A_231 = tpu.memref_squeeze %swap3A_230 : memref<1x16x128xf32, #tpu.memory_space<vmem>> -> memref<16x128xf32, #tpu.memory_space<vmem>>
        %swap3A_232 = arith.constant 0 : i32
        %swap3A_233 = tpu.memref_slice %swap3A_231[%and3A_224, %swap3A_232] : memref<16x128xf32, #tpu.memory_space<vmem>> -> memref<1x128xf32, #tpu.memory_space<vmem>>
        %swap3A_234 = tpu.memref_squeeze %swap3A_233 : memref<1x128xf32, #tpu.memory_space<vmem>> -> memref<128xf32, #tpu.memory_space<vmem>>
        %swap3A_235 = arith.constant 0 : index
        %swap3A_236 = tpu.vector_load %swap3A_234[%swap3A_235] {strides = array<i32>} : memref<128xf32, #tpu.memory_space<vmem>>, vector<16xf32>,
        tpu.vector_store %swap3A_234[%swap3A_235], %gather3A_216 {strides = array<i32>} : memref<128xf32, #tpu.memory_space<vmem>>, vector<16xf32>,
        %swap3A_237 = arith.constant 0 : i32
        %swap3A_238 = arith.constant 0 : i32
        %swap3A_239 = tpu.memref_slice %arg11[%and3A_228, %swap3A_237, %swap3A_238] : memref<2x16x128xf32, #tpu.memory_space<vmem>> -> memref<1x16x128xf32, #tpu.memory_space<vmem>>
        %swap3A_240 = tpu.memref_squeeze %swap3A_239 : memref<1x16x128xf32, #tpu.memory_space<vmem>> -> memref<16x128xf32, #tpu.memory_space<vmem>>
        %swap3A_241 = arith.constant 0 : i32
        %swap3A_242 = tpu.memref_slice %swap3A_240[%and3A_224, %swap3A_241] : memref<16x128xf32, #tpu.memory_space<vmem>> -> memref<1x128xf32, #tpu.memory_space<vmem>>
        %swap3A_243 = tpu.memref_squeeze %swap3A_242 : memref<1x128xf32, #tpu.memory_space<vmem>> -> memref<128xf32, #tpu.memory_space<vmem>>
        %swap3A_244 = arith.constant 16 : index
        %swap3A_245 = tpu.vector_load %swap3A_243[%swap3A_244] {strides = array<i32>} : memref<128xf32, #tpu.memory_space<vmem>>, vector<16xf32>,
        tpu.vector_store %swap3A_243[%swap3A_244], %gather3A_222 {strides = array<i32>} : memref<128xf32, #tpu.memory_space<vmem>>, vector<16xf32>,
        %eq3A_246 = vector.broadcast %and3A_224 : i32 to vector<16xi32>
        %eq3A_247 = arith.cmpi eq, %iota3A, %eq3A_246 : vector<16xi32>
        %broadcast_in_dim3A_248 = vector.broadcast %squeeze3A_209 : i32 to vector<16xi32>
        %select_n3A_249 = arith.select %eq3A_247, %broadcast_in_dim3A_248, %while3A_204 : vector<16xi1>, vector<16xi32>
        %eq3A_250 = arith.constant 15 : i32
        %eq3A_251 = arith.cmpi eq, %and3A_224, %eq3A_250 : i32
        %convert_element_type3A_252 = arith.extui %eq3A_251 : i1 to i32
        %cond3A_253 = arith.constant 0 : i32
        %cond3A_254 = arith.cmpi ne, %convert_element_type3A_252, %cond3A_253 : i32
        scf.if %cond3A_254 {
          %swap3A_262 = arith.index_cast %and3A_228 : i32 to index
          %swap3A_263 = arith.constant 0 : index
          %swap3A_264 = tpu.vector_load %arg12[%swap3A_262, %swap3A_263] {strides = array<i32>} : memref<2x16xi32, #tpu.memory_space<vmem>>, vector<16xi32>,
          tpu.vector_store %arg12[%swap3A_262, %swap3A_263], %select_n3A_249 {strides = array<i32>} : memref<2x16xi32, #tpu.memory_space<vmem>>, vector<16xi32>,
          %ge3A = arith.constant 32 : i32
          %ge3A_265 = arith.cmpi sge, %while3A_203, %ge3A : i32
          %convert_element_type3A_266 = arith.extui %ge3A_265 : i1 to i32
          %cond3A_267 = arith.constant 0 : i32
          %cond3A_268 = arith.cmpi ne, %convert_element_type3A_266, %cond3A_267 : i32
          scf.if %cond3A_268 {
            %dma_wait3A = arith.constant 0 : i32
            %dma_wait3A_279 = arith.constant 0 : i32
            %dma_wait3A_280 = arith.constant 0 : i32
            %dma_wait3A_281 = tpu.memref_slice %arg11[%dma_wait3A, %dma_wait3A_279, %dma_wait3A_280] : memref<2x16x128xf32, #tpu.memory_space<vmem>> -> memref<1x16x128xf32, #tpu.memory_space<vmem>>
            %dma_wait3A_282 = tpu.memref_squeeze %dma_wait3A_281 : memref<1x16x128xf32, #tpu.memory_space<vmem>> -> memref<16x128xf32, #tpu.memory_space<vmem>>
            %dma_wait3A_283 = arith.constant 0 : i32
            %dma_wait3A_284 = arith.constant 0 : i32
            %dma_wait3A_285 = tpu.memref_slice %arg2[%dma_wait3A_283, %dma_wait3A_284] : memref<32x1000000xf32, #tpu.memory_space<hbm>> -> memref<16x128xf32, #tpu.memory_space<hbm>>
            %dma_wait3A_286 = arith.constant 0 : i32
            %dma_wait3A_287 = arith.constant 0 : i32
            %dma_wait3A_288 = tpu.memref_slice %arg11[%dma_wait3A, %dma_wait3A_286, %dma_wait3A_287] : memref<2x16x128xf32, #tpu.memory_space<vmem>> -> memref<1x16x128xf32, #tpu.memory_space<vmem>>
            %dma_wait3A_289 = tpu.memref_squeeze %dma_wait3A_288 : memref<1x16x128xf32, #tpu.memory_space<vmem>> -> memref<16x128xf32, #tpu.memory_space<vmem>>
            %dma_wait3A_290 = arith.constant 0 : i32
            %dma_wait3A_291 = arith.constant 0 : i32
            %dma_wait3A_292 = tpu.memref_slice %arg2[%dma_wait3A_290, %dma_wait3A_291] : memref<32x1000000xf32, #tpu.memory_space<hbm>> -> memref<16x128xf32, #tpu.memory_space<hbm>>
            tpu.wait_dma2 semaphore(%arg15 : memref<!tpu.dma_semaphore, #tpu.memory_space<semaphore_mem>>) src(%dma_wait3A_292 : memref<16x128xf32, #tpu.memory_space<hbm>>) dst(%dma_wait3A_289 : memref<16x128xf32, #tpu.memory_space<vmem>>)
          } else {
          }
          %dma_start3A_269 = arith.constant 0 : i32
          %dma_start3A_270 = arith.constant 0 : i32
          %dma_start3A_271 = tpu.memref_slice %arg11[%and3A_228, %dma_start3A_269, %dma_start3A_270] : memref<2x16x128xf32, #tpu.memory_space<vmem>> -> memref<1x16x128xf32, #tpu.memory_space<vmem>>
          %dma_start3A_272 = tpu.memref_squeeze %dma_start3A_271 : memref<1x16x128xf32, #tpu.memory_space<vmem>> -> memref<16x128xf32, #tpu.memory_space<vmem>>
          %dma_start3A_273 = arith.constant 0 : i32
          %dma_start3A_274 = tpu.memref_slice %arg12[%and3A_228, %dma_start3A_273] : memref<2x16xi32, #tpu.memory_space<vmem>> -> memref<1x16xi32, #tpu.memory_space<vmem>>
          %dma_start3A_275 = tpu.memref_squeeze %dma_start3A_274 : memref<1x16xi32, #tpu.memory_space<vmem>> -> memref<16xi32, #tpu.memory_space<vmem>>
          %dma_start3A_276 = arith.constant 0 : i32
          %dma_start3A_277 = arith.constant 0 : i32
          %dma_start3A_278 = tpu.memref_slice %arg4[%dma_start3A_276, %dma_start3A_277] : memref<16385x128xf32, #tpu.memory_space<hbm>> -> memref<16385x128xf32, #tpu.memory_space<hbm>>
          tpu.enqueue_indirect_dma source(%dma_start3A_272 : memref<16x128xf32, #tpu.memory_space<vmem>>) target(%dma_start3A_278 : memref<16385x128xf32, #tpu.memory_space<hbm>>) offsets(%dma_start3A_275 : memref<16xi32, #tpu.memory_space<vmem>>) semaphore(%arg15 : memref<!tpu.dma_semaphore, #tpu.memory_space<semaphore_mem>>)
        } else {
        }
        %eq3A_255 = arith.constant 15 : i32
        %eq3A_256 = arith.cmpi eq, %and3A_224, %eq3A_255 : i32
        %broadcast_in_dim3A_257 = arith.constant 16384 : i32
        %broadcast_in_dim3A_258 = vector.broadcast %broadcast_in_dim3A_257 : i32 to vector<16xi32>
        %select_n3A_259 = arith.select %eq3A_256, %broadcast_in_dim3A_258, %select_n3A_249 : vector<16xi32>
        %add3A_260 = arith.constant 1 : i32
        %add3A_261 = arith.addi %while3A_203, %add3A_260 : i32
        scf.yield %add3A_261, %select_n3A_259 : i32, vector<16xi32>
      }
      %while3A_139 = arith.constant 1 : i32
      %while3A_140:2 = scf.for %while3A_202 = %while3A_136 to %while3A_132 step %while3A_139 iter_args(%while3A_203 = %while3A_138#0, %while3A_204 = %while3A_138#1) -> (i32, vector<16xi32>)  : i32 {
        %get3A = arith.index_cast %while3A_202 : i32 to index
        %get3A_205 = tpu.vector_load %arg8[%get3A] {strides = array<i32>} : memref<16400xi32, #tpu.memory_space<vmem>>, vector<16xi32>,
        %slice3A = vector.extract_strided_slice %get3A_205 {offsets = [0], sizes = [1], strides = [1]} : vector<16xi32> to vector<1xi32>
        %squeeze3A = vector.extract %slice3A[0] : i32 from vector<1xi32>
        %get3A_206 = arith.index_cast %while3A_202 : i32 to index
        %get3A_207 = tpu.vector_load %arg9[%get3A_206] {strides = array<i32>} : memref<16400xi32, #tpu.memory_space<vmem>>, vector<16xi32>,
        %slice3A_208 = vector.extract_strided_slice %get3A_207 {offsets = [0], sizes = [1], strides = [1]} : vector<16xi32> to vector<1xi32>
        %squeeze3A_209 = vector.extract %slice3A_208[0] : i32 from vector<1xi32>
        %sub3A_210 = arith.subi %squeeze3A, %select_n3A_106 : i32
        %broadcast_in_dim3A_211 = vector.broadcast %sub3A_210 : i32 to vector<16xi32>
        %gather3A = arith.constant 0 : i32
        %gather3A_212 = arith.constant 0 : i32
        %gather3A_213 = arith.constant 0 : i32
        %gather3A_214 = tpu.memref_slice %arg10[%gather3A, %gather3A_212, %gather3A_213] : memref<2x32x512xf32, #tpu.memory_space<vmem>> -> memref<1x32x512xf32, #tpu.memory_space<vmem>>
        %gather3A_215 = tpu.memref_squeeze %gather3A_214 : memref<1x32x512xf32, #tpu.memory_space<vmem>> -> memref<32x512xf32, #tpu.memory_space<vmem>>
        %gather3A_216 = tpu.vector_load_idx %gather3A_215[%iota3A, %broadcast_in_dim3A_211] : memref<32x512xf32, #tpu.memory_space<vmem>>[vector<16xi32>, vector<16xi32>], vector<16xf32>,
        %gather3A_217 = arith.constant 0 : i32
        %gather3A_218 = arith.constant 0 : i32
        %gather3A_219 = arith.constant 0 : i32
        %gather3A_220 = tpu.memref_slice %arg10[%gather3A_217, %gather3A_218, %gather3A_219] : memref<2x32x512xf32, #tpu.memory_space<vmem>> -> memref<1x32x512xf32, #tpu.memory_space<vmem>>
        %gather3A_221 = tpu.memref_squeeze %gather3A_220 : memref<1x32x512xf32, #tpu.memory_space<vmem>> -> memref<32x512xf32, #tpu.memory_space<vmem>>
        %gather3A_222 = tpu.vector_load_idx %gather3A_221[%add3A_8, %broadcast_in_dim3A_211] : memref<32x512xf32, #tpu.memory_space<vmem>>[vector<16xi32>, vector<16xi32>], vector<16xf32>,
        %and3A_223 = arith.constant 15 : i32
        %and3A_224 = arith.andi %while3A_203, %and3A_223 : i32
        %shift_right_logical3A_225 = arith.constant 4 : i32
        %shift_right_logical3A_226 = arith.shrui %while3A_203, %shift_right_logical3A_225 : i32
        %and3A_227 = arith.constant 1 : i32
        %and3A_228 = arith.andi %shift_right_logical3A_226, %and3A_227 : i32
        %swap3A = arith.constant 0 : i32
        %swap3A_229 = arith.constant 0 : i32
        %swap3A_230 = tpu.memref_slice %arg11[%and3A_228, %swap3A, %swap3A_229] : memref<2x16x128xf32, #tpu.memory_space<vmem>> -> memref<1x16x128xf32, #tpu.memory_space<vmem>>
        %swap3A_231 = tpu.memref_squeeze %swap3A_230 : memref<1x16x128xf32, #tpu.memory_space<vmem>> -> memref<16x128xf32, #tpu.memory_space<vmem>>
        %swap3A_232 = arith.constant 0 : i32
        %swap3A_233 = tpu.memref_slice %swap3A_231[%and3A_224, %swap3A_232] : memref<16x128xf32, #tpu.memory_space<vmem>> -> memref<1x128xf32, #tpu.memory_space<vmem>>
        %swap3A_234 = tpu.memref_squeeze %swap3A_233 : memref<1x128xf32, #tpu.memory_space<vmem>> -> memref<128xf32, #tpu.memory_space<vmem>>
        %swap3A_235 = arith.constant 0 : index
        %swap3A_236 = tpu.vector_load %swap3A_234[%swap3A_235] {strides = array<i32>} : memref<128xf32, #tpu.memory_space<vmem>>, vector<16xf32>,
        tpu.vector_store %swap3A_234[%swap3A_235], %gather3A_216 {strides = array<i32>} : memref<128xf32, #tpu.memory_space<vmem>>, vector<16xf32>,
        %swap3A_237 = arith.constant 0 : i32
        %swap3A_238 = arith.constant 0 : i32
        %swap3A_239 = tpu.memref_slice %arg11[%and3A_228, %swap3A_237, %swap3A_238] : memref<2x16x128xf32, #tpu.memory_space<vmem>> -> memref<1x16x128xf32, #tpu.memory_space<vmem>>
        %swap3A_240 = tpu.memref_squeeze %swap3A_239 : memref<1x16x128xf32, #tpu.memory_space<vmem>> -> memref<16x128xf32, #tpu.memory_space<vmem>>
        %swap3A_241 = arith.constant 0 : i32
        %swap3A_242 = tpu.memref_slice %swap3A_240[%and3A_224, %swap3A_241] : memref<16x128xf32, #tpu.memory_space<vmem>> -> memref<1x128xf32, #tpu.memory_space<vmem>>
        %swap3A_243 = tpu.memref_squeeze %swap3A_242 : memref<1x128xf32, #tpu.memory_space<vmem>> -> memref<128xf32, #tpu.memory_space<vmem>>
        %swap3A_244 = arith.constant 16 : index
        %swap3A_245 = tpu.vector_load %swap3A_243[%swap3A_244] {strides = array<i32>} : memref<128xf32, #tpu.memory_space<vmem>>, vector<16xf32>,
        tpu.vector_store %swap3A_243[%swap3A_244], %gather3A_222 {strides = array<i32>} : memref<128xf32, #tpu.memory_space<vmem>>, vector<16xf32>,
        %eq3A_246 = vector.broadcast %and3A_224 : i32 to vector<16xi32>
        %eq3A_247 = arith.cmpi eq, %iota3A, %eq3A_246 : vector<16xi32>
        %broadcast_in_dim3A_248 = vector.broadcast %squeeze3A_209 : i32 to vector<16xi32>
        %select_n3A_249 = arith.select %eq3A_247, %broadcast_in_dim3A_248, %while3A_204 : vector<16xi1>, vector<16xi32>
        %eq3A_250 = arith.constant 15 : i32
        %eq3A_251 = arith.cmpi eq, %and3A_224, %eq3A_250 : i32
        %convert_element_type3A_252 = arith.extui %eq3A_251 : i1 to i32
        %cond3A_253 = arith.constant 0 : i32
        %cond3A_254 = arith.cmpi ne, %convert_element_type3A_252, %cond3A_253 : i32
        scf.if %cond3A_254 {
          %swap3A_262 = arith.index_cast %and3A_228 : i32 to index
          %swap3A_263 = arith.constant 0 : index
          %swap3A_264 = tpu.vector_load %arg12[%swap3A_262, %swap3A_263] {strides = array<i32>} : memref<2x16xi32, #tpu.memory_space<vmem>>, vector<16xi32>,
          tpu.vector_store %arg12[%swap3A_262, %swap3A_263], %select_n3A_249 {strides = array<i32>} : memref<2x16xi32, #tpu.memory_space<vmem>>, vector<16xi32>,
          %ge3A = arith.constant 32 : i32
          %ge3A_265 = arith.cmpi sge, %while3A_203, %ge3A : i32
          %convert_element_type3A_266 = arith.extui %ge3A_265 : i1 to i32
          %cond3A_267 = arith.constant 0 : i32
          %cond3A_268 = arith.cmpi ne, %convert_element_type3A_266, %cond3A_267 : i32
          scf.if %cond3A_268 {
            %dma_wait3A = arith.constant 0 : i32
            %dma_wait3A_279 = arith.constant 0 : i32
            %dma_wait3A_280 = arith.constant 0 : i32
            %dma_wait3A_281 = tpu.memref_slice %arg11[%dma_wait3A, %dma_wait3A_279, %dma_wait3A_280] : memref<2x16x128xf32, #tpu.memory_space<vmem>> -> memref<1x16x128xf32, #tpu.memory_space<vmem>>
            %dma_wait3A_282 = tpu.memref_squeeze %dma_wait3A_281 : memref<1x16x128xf32, #tpu.memory_space<vmem>> -> memref<16x128xf32, #tpu.memory_space<vmem>>
            %dma_wait3A_283 = arith.constant 0 : i32
            %dma_wait3A_284 = arith.constant 0 : i32
            %dma_wait3A_285 = tpu.memref_slice %arg2[%dma_wait3A_283, %dma_wait3A_284] : memref<32x1000000xf32, #tpu.memory_space<hbm>> -> memref<16x128xf32, #tpu.memory_space<hbm>>
            %dma_wait3A_286 = arith.constant 0 : i32
            %dma_wait3A_287 = arith.constant 0 : i32
            %dma_wait3A_288 = tpu.memref_slice %arg11[%dma_wait3A, %dma_wait3A_286, %dma_wait3A_287] : memref<2x16x128xf32, #tpu.memory_space<vmem>> -> memref<1x16x128xf32, #tpu.memory_space<vmem>>
            %dma_wait3A_289 = tpu.memref_squeeze %dma_wait3A_288 : memref<1x16x128xf32, #tpu.memory_space<vmem>> -> memref<16x128xf32, #tpu.memory_space<vmem>>
            %dma_wait3A_290 = arith.constant 0 : i32
            %dma_wait3A_291 = arith.constant 0 : i32
            %dma_wait3A_292 = tpu.memref_slice %arg2[%dma_wait3A_290, %dma_wait3A_291] : memref<32x1000000xf32, #tpu.memory_space<hbm>> -> memref<16x128xf32, #tpu.memory_space<hbm>>
            tpu.wait_dma2 semaphore(%arg15 : memref<!tpu.dma_semaphore, #tpu.memory_space<semaphore_mem>>) src(%dma_wait3A_292 : memref<16x128xf32, #tpu.memory_space<hbm>>) dst(%dma_wait3A_289 : memref<16x128xf32, #tpu.memory_space<vmem>>)
          } else {
          }
          %dma_start3A_269 = arith.constant 0 : i32
          %dma_start3A_270 = arith.constant 0 : i32
          %dma_start3A_271 = tpu.memref_slice %arg11[%and3A_228, %dma_start3A_269, %dma_start3A_270] : memref<2x16x128xf32, #tpu.memory_space<vmem>> -> memref<1x16x128xf32, #tpu.memory_space<vmem>>
          %dma_start3A_272 = tpu.memref_squeeze %dma_start3A_271 : memref<1x16x128xf32, #tpu.memory_space<vmem>> -> memref<16x128xf32, #tpu.memory_space<vmem>>
          %dma_start3A_273 = arith.constant 0 : i32
          %dma_start3A_274 = tpu.memref_slice %arg12[%and3A_228, %dma_start3A_273] : memref<2x16xi32, #tpu.memory_space<vmem>> -> memref<1x16xi32, #tpu.memory_space<vmem>>
          %dma_start3A_275 = tpu.memref_squeeze %dma_start3A_274 : memref<1x16xi32, #tpu.memory_space<vmem>> -> memref<16xi32, #tpu.memory_space<vmem>>
          %dma_start3A_276 = arith.constant 0 : i32
          %dma_start3A_277 = arith.constant 0 : i32
          %dma_start3A_278 = tpu.memref_slice %arg4[%dma_start3A_276, %dma_start3A_277] : memref<16385x128xf32, #tpu.memory_space<hbm>> -> memref<16385x128xf32, #tpu.memory_space<hbm>>
          tpu.enqueue_indirect_dma source(%dma_start3A_272 : memref<16x128xf32, #tpu.memory_space<vmem>>) target(%dma_start3A_278 : memref<16385x128xf32, #tpu.memory_space<hbm>>) offsets(%dma_start3A_275 : memref<16xi32, #tpu.memory_space<vmem>>) semaphore(%arg15 : memref<!tpu.dma_semaphore, #tpu.memory_space<semaphore_mem>>)
        } else {
        }
        %eq3A_255 = arith.constant 15 : i32
        %eq3A_256 = arith.cmpi eq, %and3A_224, %eq3A_255 : i32
        %broadcast_in_dim3A_257 = arith.constant 16384 : i32
        %broadcast_in_dim3A_258 = vector.broadcast %broadcast_in_dim3A_257 : i32 to vector<16xi32>
        %select_n3A_259 = arith.select %eq3A_256, %broadcast_in_dim3A_258, %select_n3A_249 : vector<16xi32>
        %add3A_260 = arith.constant 1 : i32
        %add3A_261 = arith.addi %while3A_203, %add3A_260 : i32
        scf.yield %add3A_261, %select_n3A_259 : i32, vector<16xi32>
      }
      %mul3A_141 = arith.constant 2 : i32
      %mul3A_142 = arith.muli %mul3A_141, %scan3A_78 : i32
      %add3A_143 = arith.constant 1 : i32
      %add3A_144 = arith.addi %mul3A_142, %add3A_143 : i32
      %add3A_145 = arith.constant 1 : i32
      %add3A_146 = arith.addi %add3A_144, %add3A_145 : i32
      %lt3A_147 = arith.cmpi slt, %add3A_146, %add3A_5 : i32
      %convert_element_type3A_148 = arith.extui %lt3A_147 : i1 to i32
      %cond3A_149 = arith.constant 0 : i32
      %cond3A_150 = arith.cmpi ne, %convert_element_type3A_148, %cond3A_149 : i32
      scf.if %cond3A_150 {
        %add3A_202 = arith.constant 1 : i32
        %add3A_203 = arith.addi %add3A_144, %add3A_202 : i32
        %mul3A_204 = arith.constant 61 : i32
        %mul3A_205 = arith.muli %add3A, %mul3A_204 : i32
        %add3A_206 = arith.addi %mul3A_205, %add3A_203 : i32
        %mul3A_207 = arith.constant 512 : i32
        %mul3A_208 = arith.muli %add3A_206, %mul3A_207 : i32
        %eq3A_209 = arith.constant 61 : i32
        %eq3A_210 = arith.cmpi eq, %add3A_203, %eq3A_209 : i32
        %eq3A_211 = arith.constant 62 : i32
        %eq3A_212 = arith.cmpi eq, %add3A_203, %eq3A_211 : i32
        %jit3A_213 = arith.constant 999552 : i32
        %select_n3A_214 = arith.select %eq3A_212, %jit3A_213, %mul3A_208 : i32
        %jit3A_215 = arith.constant 999424 : i32
        %select_n3A_216 = arith.select %eq3A_210, %jit3A_215, %select_n3A_214 : i32
        %multiple_of3A_217 = tpu.assume_multiple %select_n3A_216, 128 : i32
        %dma_start3A_218 = arith.constant 0 : i32
        %dma_start3A_219 = arith.constant 0 : i32
        %dma_start3A_220 = arith.constant 0 : i32
        %dma_start3A_221 = tpu.memref_slice %arg10[%dma_start3A_218, %dma_start3A_219, %dma_start3A_220] : memref<2x32x512xf32, #tpu.memory_space<vmem>> -> memref<1x32x512xf32, #tpu.memory_space<vmem>>
        %dma_start3A_222 = tpu.memref_squeeze %dma_start3A_221 : memref<1x32x512xf32, #tpu.memory_space<vmem>> -> memref<32x512xf32, #tpu.memory_space<vmem>>
        %dma_start3A_223 = arith.constant 0 : i32
        %dma_start3A_224 = tpu.memref_slice %arg2[%dma_start3A_223, %multiple_of3A_217] : memref<32x1000000xf32, #tpu.memory_space<hbm>> -> memref<32x512xf32, #tpu.memory_space<hbm>>
        %dma_start3A_225 = arith.constant 0 : i32
        %dma_start3A_226 = arith.constant 0 : i32
        %dma_start3A_227 = tpu.memref_slice %arg10[%dma_start3A_218, %dma_start3A_225, %dma_start3A_226] : memref<2x32x512xf32, #tpu.memory_space<vmem>> -> memref<1x32x512xf32, #tpu.memory_space<vmem>>
        %dma_start3A_228 = tpu.memref_squeeze %dma_start3A_227 : memref<1x32x512xf32, #tpu.memory_space<vmem>> -> memref<32x512xf32, #tpu.memory_space<vmem>>
        %dma_start3A_229 = arith.constant 0 : i32
        %dma_start3A_230 = tpu.memref_slice %arg2[%dma_start3A_229, %multiple_of3A_217] : memref<32x1000000xf32, #tpu.memory_space<hbm>> -> memref<32x512xf32, #tpu.memory_space<hbm>>
        tpu.enqueue_dma source(%dma_start3A_230 : memref<32x512xf32, #tpu.memory_space<hbm>>) target(%dma_start3A_228 : memref<32x512xf32, #tpu.memory_space<vmem>>) target_semaphore(%arg13 : memref<!tpu.dma_semaphore, #tpu.memory_space<semaphore_mem>>)
      } else {
      }
      %lt3A_151 = arith.cmpi slt, %add3A_144, %add3A_5 : i32
      %convert_element_type3A_152 = arith.extui %lt3A_151 : i1 to i32
      %cond3A_153 = arith.constant 0 : i32
      %cond3A_154 = arith.cmpi ne, %convert_element_type3A_152, %cond3A_153 : i32
      scf.if %cond3A_154 {
        %dma_wait3A = arith.constant 1 : i32
        %dma_wait3A_202 = arith.constant 0 : i32
        %dma_wait3A_203 = arith.constant 0 : i32
        %dma_wait3A_204 = tpu.memref_slice %arg10[%dma_wait3A, %dma_wait3A_202, %dma_wait3A_203] : memref<2x32x512xf32, #tpu.memory_space<vmem>> -> memref<1x32x512xf32, #tpu.memory_space<vmem>>
        %dma_wait3A_205 = tpu.memref_squeeze %dma_wait3A_204 : memref<1x32x512xf32, #tpu.memory_space<vmem>> -> memref<32x512xf32, #tpu.memory_space<vmem>>
        %dma_wait3A_206 = arith.constant 0 : i32
        %dma_wait3A_207 = arith.constant 0 : i32
        %dma_wait3A_208 = tpu.memref_slice %arg2[%dma_wait3A_206, %dma_wait3A_207] : memref<32x1000000xf32, #tpu.memory_space<hbm>> -> memref<32x512xf32, #tpu.memory_space<hbm>>
        %dma_wait3A_209 = arith.constant 0 : i32
        %dma_wait3A_210 = arith.constant 0 : i32
        %dma_wait3A_211 = tpu.memref_slice %arg10[%dma_wait3A, %dma_wait3A_209, %dma_wait3A_210] : memref<2x32x512xf32, #tpu.memory_space<vmem>> -> memref<1x32x512xf32, #tpu.memory_space<vmem>>
        %dma_wait3A_212 = tpu.memref_squeeze %dma_wait3A_211 : memref<1x32x512xf32, #tpu.memory_space<vmem>> -> memref<32x512xf32, #tpu.memory_space<vmem>>
        %dma_wait3A_213 = arith.constant 0 : i32
        %dma_wait3A_214 = arith.constant 0 : i32
        %dma_wait3A_215 = tpu.memref_slice %arg2[%dma_wait3A_213, %dma_wait3A_214] : memref<32x1000000xf32, #tpu.memory_space<hbm>> -> memref<32x512xf32, #tpu.memory_space<hbm>>
        tpu.wait_dma2 semaphore(%arg14 : memref<!tpu.dma_semaphore, #tpu.memory_space<semaphore_mem>>) src(%dma_wait3A_215 : memref<32x512xf32, #tpu.memory_space<hbm>>) dst(%dma_wait3A_212 : memref<32x512xf32, #tpu.memory_space<vmem>>)
      } else {
      }
      %mul3A_155 = arith.constant 61 : i32
      %mul3A_156 = arith.muli %add3A, %mul3A_155 : i32
      %add3A_157 = arith.addi %mul3A_156, %add3A_144 : i32
      %mul3A_158 = arith.constant 512 : i32
      %mul3A_159 = arith.muli %add3A_157, %mul3A_158 : i32
      %eq3A_160 = arith.constant 61 : i32
      %eq3A_161 = arith.cmpi eq, %add3A_144, %eq3A_160 : i32
      %eq3A_162 = arith.constant 62 : i32
      %eq3A_163 = arith.cmpi eq, %add3A_144, %eq3A_162 : i32
      %jit3A_164 = arith.constant 999552 : i32
      %select_n3A_165 = arith.select %eq3A_163, %jit3A_164, %mul3A_159 : i32
      %jit3A_166 = arith.constant 999424 : i32
      %select_n3A_167 = arith.select %eq3A_161, %jit3A_166, %select_n3A_165 : i32
      %shift_right_logical3A_168 = arith.constant 7 : i32
      %shift_right_logical3A_169 = arith.shrui %select_n3A_167, %shift_right_logical3A_168 : i32
      %eq3A_170 = arith.constant 62 : i32
      %eq3A_171 = arith.cmpi eq, %add3A_144, %eq3A_170 : i32
      %add3A_172 = arith.constant 3 : i32
      %add3A_173 = arith.addi %shift_right_logical3A_169, %add3A_172 : i32
      %select_n3A_174 = arith.select %eq3A_171, %add3A_173, %shift_right_logical3A_169 : i32
      %lt3A_175 = arith.cmpi slt, %add3A_144, %add3A_5 : i32
      %add3A_176 = arith.constant 4 : i32
      %add3A_177 = arith.addi %shift_right_logical3A_169, %add3A_176 : i32
      %select_n3A_178 = arith.select %lt3A_175, %add3A_177, %shift_right_logical3A_169 : i32
      %while3A_179 = arith.constant 0 : i32
      %while3A_180 = arith.constant 0 : i32
      %while3A_181 = arith.subi %shift_right_logical3A_25, %while3A_179 : i32
      %while3A_182 = arith.addi %while3A_179, %while3A_181 : i32
      %while3A_183 = arith.constant 1 : i32
      %while3A_184 = arith.divsi %while3A_181, %while3A_183 : i32
      %while3A_185 = arith.muli %while3A_184, %while3A_183 : i32
      %while3A_186 = arith.addi %while3A_179, %while3A_185 : i32
      %while3A_187 = arith.constant 1 : i32
      %while3A_188 = scf.for %while3A_202 = %while3A_179 to %while3A_186 step %while3A_187 iter_args(%while3A_203 = %while3A_180) -> (i32)  : i32 {
        %mul3A_204 = arith.constant 16 : i32
        %mul3A_205 = arith.muli %while3A_202, %mul3A_204 : i32
        %get3A = arith.index_cast %mul3A_205 : i32 to index
        %get3A_206 = tpu.vector_load %arg6[%get3A] {strides = array<i32>} : memref<16400xi32, #tpu.memory_space<vmem>>, vector<16xi32>,
        %mul3A_207 = arith.constant 16 : i32
        %mul3A_208 = arith.muli %while3A_202, %mul3A_207 : i32
        %get3A_209 = arith.index_cast %mul3A_208 : i32 to index
        %get3A_210 = tpu.vector_load %arg7[%get3A_209] {strides = array<i32>} : memref<16400xi32, #tpu.memory_space<vmem>>, vector<16xi32>,
        %shift_right_logical3A_211 = arith.constant 7 : i32
        %shift_right_logical3A_212 = vector.broadcast %shift_right_logical3A_211 : i32 to vector<16xi32>
        %shift_right_logical3A_213 = arith.shrui %get3A_206, %shift_right_logical3A_212 : vector<16xi32>
        %ge3A = vector.broadcast %select_n3A_174 : i32 to vector<16xi32>
        %ge3A_214 = arith.cmpi sge, %shift_right_logical3A_213, %ge3A : vector<16xi32>
        %lt3A_215 = vector.broadcast %select_n3A_178 : i32 to vector<16xi32>
        %lt3A_216 = arith.cmpi slt, %shift_right_logical3A_213, %lt3A_215 : vector<16xi32>
        %and3A_217 = arith.andi %ge3A_214, %lt3A_216 : vector<16xi1>
        %mul3A_218 = arith.constant 16 : i32
        %mul3A_219 = arith.muli %while3A_202, %mul3A_218 : i32
        %add3A_220 = vector.broadcast %mul3A_219 : i32 to vector<16xi32>
        %add3A_221 = arith.addi %iota3A, %add3A_220 : vector<16xi32>
        %lt3A_222 = vector.broadcast %scan3A_20 : i32 to vector<16xi32>
        %lt3A_223 = arith.cmpi slt, %add3A_221, %lt3A_222 : vector<16xi32>
        %and3A_224 = arith.andi %and3A_217, %lt3A_223 : vector<16xi1>
        %all_reduce_population_count3A = tpu.all_reduce %and3A_224 {dim = 0 : i64, kind = #tpu.reduction_kind<sum>} : vector<16xi1> -> vector<16xi32>
        %slice3A = vector.extract_strided_slice %all_reduce_population_count3A {offsets = [0], sizes = [1], strides = [1]} : vector<16xi32> to vector<1xi32>
        %squeeze3A = vector.extract %slice3A[0] : i32 from vector<1xi32>
        %swap3A = arith.index_cast %while3A_203 : i32 to index
        %swap3A_225 = tpu.vector_load %arg8[%swap3A] masked %and3A_224 {strides = array<i32>} : memref<16400xi32, #tpu.memory_space<vmem>>, vector<16xi32>, vector<16xi1>
        tpu.vector_store %arg8[%swap3A], %get3A_206 masked %and3A_224 {strides = array<i32>} : memref<16400xi32, #tpu.memory_space<vmem>>, vector<16xi32>, vector<16xi1>
        %swap3A_226 = arith.index_cast %while3A_203 : i32 to index
        %swap3A_227 = tpu.vector_load %arg9[%swap3A_226] masked %and3A_224 {strides = array<i32>} : memref<16400xi32, #tpu.memory_space<vmem>>, vector<16xi32>, vector<16xi1>
        tpu.vector_store %arg9[%swap3A_226], %get3A_210 masked %and3A_224 {strides = array<i32>} : memref<16400xi32, #tpu.memory_space<vmem>>, vector<16xi32>, vector<16xi1>
        %add3A_228 = arith.addi %while3A_203, %squeeze3A : i32
        scf.yield %add3A_228 : i32
      }
      %while3A_189 = arith.constant 1 : i32
      %while3A_190 = scf.for %while3A_202 = %while3A_186 to %while3A_182 step %while3A_189 iter_args(%while3A_203 = %while3A_188) -> (i32)  : i32 {
        %mul3A_204 = arith.constant 16 : i32
        %mul3A_205 = arith.muli %while3A_202, %mul3A_204 : i32
        %get3A = arith.index_cast %mul3A_205 : i32 to index
        %get3A_206 = tpu.vector_load %arg6[%get3A] {strides = array<i32>} : memref<16400xi32, #tpu.memory_space<vmem>>, vector<16xi32>,
        %mul3A_207 = arith.constant 16 : i32
        %mul3A_208 = arith.muli %while3A_202, %mul3A_207 : i32
        %get3A_209 = arith.index_cast %mul3A_208 : i32 to index
        %get3A_210 = tpu.vector_load %arg7[%get3A_209] {strides = array<i32>} : memref<16400xi32, #tpu.memory_space<vmem>>, vector<16xi32>,
        %shift_right_logical3A_211 = arith.constant 7 : i32
        %shift_right_logical3A_212 = vector.broadcast %shift_right_logical3A_211 : i32 to vector<16xi32>
        %shift_right_logical3A_213 = arith.shrui %get3A_206, %shift_right_logical3A_212 : vector<16xi32>
        %ge3A = vector.broadcast %select_n3A_174 : i32 to vector<16xi32>
        %ge3A_214 = arith.cmpi sge, %shift_right_logical3A_213, %ge3A : vector<16xi32>
        %lt3A_215 = vector.broadcast %select_n3A_178 : i32 to vector<16xi32>
        %lt3A_216 = arith.cmpi slt, %shift_right_logical3A_213, %lt3A_215 : vector<16xi32>
        %and3A_217 = arith.andi %ge3A_214, %lt3A_216 : vector<16xi1>
        %mul3A_218 = arith.constant 16 : i32
        %mul3A_219 = arith.muli %while3A_202, %mul3A_218 : i32
        %add3A_220 = vector.broadcast %mul3A_219 : i32 to vector<16xi32>
        %add3A_221 = arith.addi %iota3A, %add3A_220 : vector<16xi32>
        %lt3A_222 = vector.broadcast %scan3A_20 : i32 to vector<16xi32>
        %lt3A_223 = arith.cmpi slt, %add3A_221, %lt3A_222 : vector<16xi32>
        %and3A_224 = arith.andi %and3A_217, %lt3A_223 : vector<16xi1>
        %all_reduce_population_count3A = tpu.all_reduce %and3A_224 {dim = 0 : i64, kind = #tpu.reduction_kind<sum>} : vector<16xi1> -> vector<16xi32>
        %slice3A = vector.extract_strided_slice %all_reduce_population_count3A {offsets = [0], sizes = [1], strides = [1]} : vector<16xi32> to vector<1xi32>
        %squeeze3A = vector.extract %slice3A[0] : i32 from vector<1xi32>
        %swap3A = arith.index_cast %while3A_203 : i32 to index
        %swap3A_225 = tpu.vector_load %arg8[%swap3A] masked %and3A_224 {strides = array<i32>} : memref<16400xi32, #tpu.memory_space<vmem>>, vector<16xi32>, vector<16xi1>
        tpu.vector_store %arg8[%swap3A], %get3A_206 masked %and3A_224 {strides = array<i32>} : memref<16400xi32, #tpu.memory_space<vmem>>, vector<16xi32>, vector<16xi1>
        %swap3A_226 = arith.index_cast %while3A_203 : i32 to index
        %swap3A_227 = tpu.vector_load %arg9[%swap3A_226] masked %and3A_224 {strides = array<i32>} : memref<16400xi32, #tpu.memory_space<vmem>>, vector<16xi32>, vector<16xi1>
        tpu.vector_store %arg9[%swap3A_226], %get3A_210 masked %and3A_224 {strides = array<i32>} : memref<16400xi32, #tpu.memory_space<vmem>>, vector<16xi32>, vector<16xi1>
        %add3A_228 = arith.addi %while3A_203, %squeeze3A : i32
        scf.yield %add3A_228 : i32
      }
      %while3A_191 = arith.constant 0 : i32
      %while3A_192 = arith.subi %while3A_190, %while3A_191 : i32
      %while3A_193 = arith.addi %while3A_191, %while3A_192 : i32
      %while3A_194 = arith.constant 1 : i32
      %while3A_195 = arith.divsi %while3A_192, %while3A_194 : i32
      %while3A_196 = arith.muli %while3A_195, %while3A_194 : i32
      %while3A_197 = arith.addi %while3A_191, %while3A_196 : i32
      %while3A_198 = arith.constant 1 : i32
      %while3A_199:2 = scf.for %while3A_202 = %while3A_191 to %while3A_197 step %while3A_198 iter_args(%while3A_203 = %while3A_140#0, %while3A_204 = %while3A_140#1) -> (i32, vector<16xi32>)  : i32 {
        %get3A = arith.index_cast %while3A_202 : i32 to index
        %get3A_205 = tpu.vector_load %arg8[%get3A] {strides = array<i32>} : memref<16400xi32, #tpu.memory_space<vmem>>, vector<16xi32>,
        %slice3A = vector.extract_strided_slice %get3A_205 {offsets = [0], sizes = [1], strides = [1]} : vector<16xi32> to vector<1xi32>
        %squeeze3A = vector.extract %slice3A[0] : i32 from vector<1xi32>
        %get3A_206 = arith.index_cast %while3A_202 : i32 to index
        %get3A_207 = tpu.vector_load %arg9[%get3A_206] {strides = array<i32>} : memref<16400xi32, #tpu.memory_space<vmem>>, vector<16xi32>,
        %slice3A_208 = vector.extract_strided_slice %get3A_207 {offsets = [0], sizes = [1], strides = [1]} : vector<16xi32> to vector<1xi32>
        %squeeze3A_209 = vector.extract %slice3A_208[0] : i32 from vector<1xi32>
        %sub3A_210 = arith.subi %squeeze3A, %select_n3A_167 : i32
        %broadcast_in_dim3A_211 = vector.broadcast %sub3A_210 : i32 to vector<16xi32>
        %gather3A = arith.constant 1 : i32
        %gather3A_212 = arith.constant 0 : i32
        %gather3A_213 = arith.constant 0 : i32
        %gather3A_214 = tpu.memref_slice %arg10[%gather3A, %gather3A_212, %gather3A_213] : memref<2x32x512xf32, #tpu.memory_space<vmem>> -> memref<1x32x512xf32, #tpu.memory_space<vmem>>
        %gather3A_215 = tpu.memref_squeeze %gather3A_214 : memref<1x32x512xf32, #tpu.memory_space<vmem>> -> memref<32x512xf32, #tpu.memory_space<vmem>>
        %gather3A_216 = tpu.vector_load_idx %gather3A_215[%iota3A, %broadcast_in_dim3A_211] : memref<32x512xf32, #tpu.memory_space<vmem>>[vector<16xi32>, vector<16xi32>], vector<16xf32>,
        %gather3A_217 = arith.constant 1 : i32
        %gather3A_218 = arith.constant 0 : i32
        %gather3A_219 = arith.constant 0 : i32
        %gather3A_220 = tpu.memref_slice %arg10[%gather3A_217, %gather3A_218, %gather3A_219] : memref<2x32x512xf32, #tpu.memory_space<vmem>> -> memref<1x32x512xf32, #tpu.memory_space<vmem>>
        %gather3A_221 = tpu.memref_squeeze %gather3A_220 : memref<1x32x512xf32, #tpu.memory_space<vmem>> -> memref<32x512xf32, #tpu.memory_space<vmem>>
        %gather3A_222 = tpu.vector_load_idx %gather3A_221[%add3A_8, %broadcast_in_dim3A_211] : memref<32x512xf32, #tpu.memory_space<vmem>>[vector<16xi32>, vector<16xi32>], vector<16xf32>,
        %and3A_223 = arith.constant 15 : i32
        %and3A_224 = arith.andi %while3A_203, %and3A_223 : i32
        %shift_right_logical3A_225 = arith.constant 4 : i32
        %shift_right_logical3A_226 = arith.shrui %while3A_203, %shift_right_logical3A_225 : i32
        %and3A_227 = arith.constant 1 : i32
        %and3A_228 = arith.andi %shift_right_logical3A_226, %and3A_227 : i32
        %swap3A = arith.constant 0 : i32
        %swap3A_229 = arith.constant 0 : i32
        %swap3A_230 = tpu.memref_slice %arg11[%and3A_228, %swap3A, %swap3A_229] : memref<2x16x128xf32, #tpu.memory_space<vmem>> -> memref<1x16x128xf32, #tpu.memory_space<vmem>>
        %swap3A_231 = tpu.memref_squeeze %swap3A_230 : memref<1x16x128xf32, #tpu.memory_space<vmem>> -> memref<16x128xf32, #tpu.memory_space<vmem>>
        %swap3A_232 = arith.constant 0 : i32
        %swap3A_233 = tpu.memref_slice %swap3A_231[%and3A_224, %swap3A_232] : memref<16x128xf32, #tpu.memory_space<vmem>> -> memref<1x128xf32, #tpu.memory_space<vmem>>
        %swap3A_234 = tpu.memref_squeeze %swap3A_233 : memref<1x128xf32, #tpu.memory_space<vmem>> -> memref<128xf32, #tpu.memory_space<vmem>>
        %swap3A_235 = arith.constant 0 : index
        %swap3A_236 = tpu.vector_load %swap3A_234[%swap3A_235] {strides = array<i32>} : memref<128xf32, #tpu.memory_space<vmem>>, vector<16xf32>,
        tpu.vector_store %swap3A_234[%swap3A_235], %gather3A_216 {strides = array<i32>} : memref<128xf32, #tpu.memory_space<vmem>>, vector<16xf32>,
        %swap3A_237 = arith.constant 0 : i32
        %swap3A_238 = arith.constant 0 : i32
        %swap3A_239 = tpu.memref_slice %arg11[%and3A_228, %swap3A_237, %swap3A_238] : memref<2x16x128xf32, #tpu.memory_space<vmem>> -> memref<1x16x128xf32, #tpu.memory_space<vmem>>
        %swap3A_240 = tpu.memref_squeeze %swap3A_239 : memref<1x16x128xf32, #tpu.memory_space<vmem>> -> memref<16x128xf32, #tpu.memory_space<vmem>>
        %swap3A_241 = arith.constant 0 : i32
        %swap3A_242 = tpu.memref_slice %swap3A_240[%and3A_224, %swap3A_241] : memref<16x128xf32, #tpu.memory_space<vmem>> -> memref<1x128xf32, #tpu.memory_space<vmem>>
        %swap3A_243 = tpu.memref_squeeze %swap3A_242 : memref<1x128xf32, #tpu.memory_space<vmem>> -> memref<128xf32, #tpu.memory_space<vmem>>
        %swap3A_244 = arith.constant 16 : index
        %swap3A_245 = tpu.vector_load %swap3A_243[%swap3A_244] {strides = array<i32>} : memref<128xf32, #tpu.memory_space<vmem>>, vector<16xf32>,
        tpu.vector_store %swap3A_243[%swap3A_244], %gather3A_222 {strides = array<i32>} : memref<128xf32, #tpu.memory_space<vmem>>, vector<16xf32>,
        %eq3A_246 = vector.broadcast %and3A_224 : i32 to vector<16xi32>
        %eq3A_247 = arith.cmpi eq, %iota3A, %eq3A_246 : vector<16xi32>
        %broadcast_in_dim3A_248 = vector.broadcast %squeeze3A_209 : i32 to vector<16xi32>
        %select_n3A_249 = arith.select %eq3A_247, %broadcast_in_dim3A_248, %while3A_204 : vector<16xi1>, vector<16xi32>
        %eq3A_250 = arith.constant 15 : i32
        %eq3A_251 = arith.cmpi eq, %and3A_224, %eq3A_250 : i32
        %convert_element_type3A_252 = arith.extui %eq3A_251 : i1 to i32
        %cond3A_253 = arith.constant 0 : i32
        %cond3A_254 = arith.cmpi ne, %convert_element_type3A_252, %cond3A_253 : i32
        scf.if %cond3A_254 {
          %swap3A_262 = arith.index_cast %and3A_228 : i32 to index
          %swap3A_263 = arith.constant 0 : index
          %swap3A_264 = tpu.vector_load %arg12[%swap3A_262, %swap3A_263] {strides = array<i32>} : memref<2x16xi32, #tpu.memory_space<vmem>>, vector<16xi32>,
          tpu.vector_store %arg12[%swap3A_262, %swap3A_263], %select_n3A_249 {strides = array<i32>} : memref<2x16xi32, #tpu.memory_space<vmem>>, vector<16xi32>,
          %ge3A = arith.constant 32 : i32
          %ge3A_265 = arith.cmpi sge, %while3A_203, %ge3A : i32
          %convert_element_type3A_266 = arith.extui %ge3A_265 : i1 to i32
          %cond3A_267 = arith.constant 0 : i32
          %cond3A_268 = arith.cmpi ne, %convert_element_type3A_266, %cond3A_267 : i32
          scf.if %cond3A_268 {
            %dma_wait3A = arith.constant 0 : i32
            %dma_wait3A_279 = arith.constant 0 : i32
            %dma_wait3A_280 = arith.constant 0 : i32
            %dma_wait3A_281 = tpu.memref_slice %arg11[%dma_wait3A, %dma_wait3A_279, %dma_wait3A_280] : memref<2x16x128xf32, #tpu.memory_space<vmem>> -> memref<1x16x128xf32, #tpu.memory_space<vmem>>
            %dma_wait3A_282 = tpu.memref_squeeze %dma_wait3A_281 : memref<1x16x128xf32, #tpu.memory_space<vmem>> -> memref<16x128xf32, #tpu.memory_space<vmem>>
            %dma_wait3A_283 = arith.constant 0 : i32
            %dma_wait3A_284 = arith.constant 0 : i32
            %dma_wait3A_285 = tpu.memref_slice %arg2[%dma_wait3A_283, %dma_wait3A_284] : memref<32x1000000xf32, #tpu.memory_space<hbm>> -> memref<16x128xf32, #tpu.memory_space<hbm>>
            %dma_wait3A_286 = arith.constant 0 : i32
            %dma_wait3A_287 = arith.constant 0 : i32
            %dma_wait3A_288 = tpu.memref_slice %arg11[%dma_wait3A, %dma_wait3A_286, %dma_wait3A_287] : memref<2x16x128xf32, #tpu.memory_space<vmem>> -> memref<1x16x128xf32, #tpu.memory_space<vmem>>
            %dma_wait3A_289 = tpu.memref_squeeze %dma_wait3A_288 : memref<1x16x128xf32, #tpu.memory_space<vmem>> -> memref<16x128xf32, #tpu.memory_space<vmem>>
            %dma_wait3A_290 = arith.constant 0 : i32
            %dma_wait3A_291 = arith.constant 0 : i32
            %dma_wait3A_292 = tpu.memref_slice %arg2[%dma_wait3A_290, %dma_wait3A_291] : memref<32x1000000xf32, #tpu.memory_space<hbm>> -> memref<16x128xf32, #tpu.memory_space<hbm>>
            tpu.wait_dma2 semaphore(%arg15 : memref<!tpu.dma_semaphore, #tpu.memory_space<semaphore_mem>>) src(%dma_wait3A_292 : memref<16x128xf32, #tpu.memory_space<hbm>>) dst(%dma_wait3A_289 : memref<16x128xf32, #tpu.memory_space<vmem>>)
          } else {
          }
          %dma_start3A_269 = arith.constant 0 : i32
          %dma_start3A_270 = arith.constant 0 : i32
          %dma_start3A_271 = tpu.memref_slice %arg11[%and3A_228, %dma_start3A_269, %dma_start3A_270] : memref<2x16x128xf32, #tpu.memory_space<vmem>> -> memref<1x16x128xf32, #tpu.memory_space<vmem>>
          %dma_start3A_272 = tpu.memref_squeeze %dma_start3A_271 : memref<1x16x128xf32, #tpu.memory_space<vmem>> -> memref<16x128xf32, #tpu.memory_space<vmem>>
          %dma_start3A_273 = arith.constant 0 : i32
          %dma_start3A_274 = tpu.memref_slice %arg12[%and3A_228, %dma_start3A_273] : memref<2x16xi32, #tpu.memory_space<vmem>> -> memref<1x16xi32, #tpu.memory_space<vmem>>
          %dma_start3A_275 = tpu.memref_squeeze %dma_start3A_274 : memref<1x16xi32, #tpu.memory_space<vmem>> -> memref<16xi32, #tpu.memory_space<vmem>>
          %dma_start3A_276 = arith.constant 0 : i32
          %dma_start3A_277 = arith.constant 0 : i32
          %dma_start3A_278 = tpu.memref_slice %arg4[%dma_start3A_276, %dma_start3A_277] : memref<16385x128xf32, #tpu.memory_space<hbm>> -> memref<16385x128xf32, #tpu.memory_space<hbm>>
          tpu.enqueue_indirect_dma source(%dma_start3A_272 : memref<16x128xf32, #tpu.memory_space<vmem>>) target(%dma_start3A_278 : memref<16385x128xf32, #tpu.memory_space<hbm>>) offsets(%dma_start3A_275 : memref<16xi32, #tpu.memory_space<vmem>>) semaphore(%arg15 : memref<!tpu.dma_semaphore, #tpu.memory_space<semaphore_mem>>)
        } else {
        }
        %eq3A_255 = arith.constant 15 : i32
        %eq3A_256 = arith.cmpi eq, %and3A_224, %eq3A_255 : i32
        %broadcast_in_dim3A_257 = arith.constant 16384 : i32
        %broadcast_in_dim3A_258 = vector.broadcast %broadcast_in_dim3A_257 : i32 to vector<16xi32>
        %select_n3A_259 = arith.select %eq3A_256, %broadcast_in_dim3A_258, %select_n3A_249 : vector<16xi32>
        %add3A_260 = arith.constant 1 : i32
        %add3A_261 = arith.addi %while3A_203, %add3A_260 : i32
        scf.yield %add3A_261, %select_n3A_259 : i32, vector<16xi32>
      }
      %while3A_200 = arith.constant 1 : i32
      %while3A_201:2 = scf.for %while3A_202 = %while3A_197 to %while3A_193 step %while3A_200 iter_args(%while3A_203 = %while3A_199#0, %while3A_204 = %while3A_199#1) -> (i32, vector<16xi32>)  : i32 {
        %get3A = arith.index_cast %while3A_202 : i32 to index
        %get3A_205 = tpu.vector_load %arg8[%get3A] {strides = array<i32>} : memref<16400xi32, #tpu.memory_space<vmem>>, vector<16xi32>,
        %slice3A = vector.extract_strided_slice %get3A_205 {offsets = [0], sizes = [1], strides = [1]} : vector<16xi32> to vector<1xi32>
        %squeeze3A = vector.extract %slice3A[0] : i32 from vector<1xi32>
        %get3A_206 = arith.index_cast %while3A_202 : i32 to index
        %get3A_207 = tpu.vector_load %arg9[%get3A_206] {strides = array<i32>} : memref<16400xi32, #tpu.memory_space<vmem>>, vector<16xi32>,
        %slice3A_208 = vector.extract_strided_slice %get3A_207 {offsets = [0], sizes = [1], strides = [1]} : vector<16xi32> to vector<1xi32>
        %squeeze3A_209 = vector.extract %slice3A_208[0] : i32 from vector<1xi32>
        %sub3A_210 = arith.subi %squeeze3A, %select_n3A_167 : i32
        %broadcast_in_dim3A_211 = vector.broadcast %sub3A_210 : i32 to vector<16xi32>
        %gather3A = arith.constant 1 : i32
        %gather3A_212 = arith.constant 0 : i32
        %gather3A_213 = arith.constant 0 : i32
        %gather3A_214 = tpu.memref_slice %arg10[%gather3A, %gather3A_212, %gather3A_213] : memref<2x32x512xf32, #tpu.memory_space<vmem>> -> memref<1x32x512xf32, #tpu.memory_space<vmem>>
        %gather3A_215 = tpu.memref_squeeze %gather3A_214 : memref<1x32x512xf32, #tpu.memory_space<vmem>> -> memref<32x512xf32, #tpu.memory_space<vmem>>
        %gather3A_216 = tpu.vector_load_idx %gather3A_215[%iota3A, %broadcast_in_dim3A_211] : memref<32x512xf32, #tpu.memory_space<vmem>>[vector<16xi32>, vector<16xi32>], vector<16xf32>,
        %gather3A_217 = arith.constant 1 : i32
        %gather3A_218 = arith.constant 0 : i32
        %gather3A_219 = arith.constant 0 : i32
        %gather3A_220 = tpu.memref_slice %arg10[%gather3A_217, %gather3A_218, %gather3A_219] : memref<2x32x512xf32, #tpu.memory_space<vmem>> -> memref<1x32x512xf32, #tpu.memory_space<vmem>>
        %gather3A_221 = tpu.memref_squeeze %gather3A_220 : memref<1x32x512xf32, #tpu.memory_space<vmem>> -> memref<32x512xf32, #tpu.memory_space<vmem>>
        %gather3A_222 = tpu.vector_load_idx %gather3A_221[%add3A_8, %broadcast_in_dim3A_211] : memref<32x512xf32, #tpu.memory_space<vmem>>[vector<16xi32>, vector<16xi32>], vector<16xf32>,
        %and3A_223 = arith.constant 15 : i32
        %and3A_224 = arith.andi %while3A_203, %and3A_223 : i32
        %shift_right_logical3A_225 = arith.constant 4 : i32
        %shift_right_logical3A_226 = arith.shrui %while3A_203, %shift_right_logical3A_225 : i32
        %and3A_227 = arith.constant 1 : i32
        %and3A_228 = arith.andi %shift_right_logical3A_226, %and3A_227 : i32
        %swap3A = arith.constant 0 : i32
        %swap3A_229 = arith.constant 0 : i32
        %swap3A_230 = tpu.memref_slice %arg11[%and3A_228, %swap3A, %swap3A_229] : memref<2x16x128xf32, #tpu.memory_space<vmem>> -> memref<1x16x128xf32, #tpu.memory_space<vmem>>
        %swap3A_231 = tpu.memref_squeeze %swap3A_230 : memref<1x16x128xf32, #tpu.memory_space<vmem>> -> memref<16x128xf32, #tpu.memory_space<vmem>>
        %swap3A_232 = arith.constant 0 : i32
        %swap3A_233 = tpu.memref_slice %swap3A_231[%and3A_224, %swap3A_232] : memref<16x128xf32, #tpu.memory_space<vmem>> -> memref<1x128xf32, #tpu.memory_space<vmem>>
        %swap3A_234 = tpu.memref_squeeze %swap3A_233 : memref<1x128xf32, #tpu.memory_space<vmem>> -> memref<128xf32, #tpu.memory_space<vmem>>
        %swap3A_235 = arith.constant 0 : index
        %swap3A_236 = tpu.vector_load %swap3A_234[%swap3A_235] {strides = array<i32>} : memref<128xf32, #tpu.memory_space<vmem>>, vector<16xf32>,
        tpu.vector_store %swap3A_234[%swap3A_235], %gather3A_216 {strides = array<i32>} : memref<128xf32, #tpu.memory_space<vmem>>, vector<16xf32>,
        %swap3A_237 = arith.constant 0 : i32
        %swap3A_238 = arith.constant 0 : i32
        %swap3A_239 = tpu.memref_slice %arg11[%and3A_228, %swap3A_237, %swap3A_238] : memref<2x16x128xf32, #tpu.memory_space<vmem>> -> memref<1x16x128xf32, #tpu.memory_space<vmem>>
        %swap3A_240 = tpu.memref_squeeze %swap3A_239 : memref<1x16x128xf32, #tpu.memory_space<vmem>> -> memref<16x128xf32, #tpu.memory_space<vmem>>
        %swap3A_241 = arith.constant 0 : i32
        %swap3A_242 = tpu.memref_slice %swap3A_240[%and3A_224, %swap3A_241] : memref<16x128xf32, #tpu.memory_space<vmem>> -> memref<1x128xf32, #tpu.memory_space<vmem>>
        %swap3A_243 = tpu.memref_squeeze %swap3A_242 : memref<1x128xf32, #tpu.memory_space<vmem>> -> memref<128xf32, #tpu.memory_space<vmem>>
        %swap3A_244 = arith.constant 16 : index
        %swap3A_245 = tpu.vector_load %swap3A_243[%swap3A_244] {strides = array<i32>} : memref<128xf32, #tpu.memory_space<vmem>>, vector<16xf32>,
        tpu.vector_store %swap3A_243[%swap3A_244], %gather3A_222 {strides = array<i32>} : memref<128xf32, #tpu.memory_space<vmem>>, vector<16xf32>,
        %eq3A_246 = vector.broadcast %and3A_224 : i32 to vector<16xi32>
        %eq3A_247 = arith.cmpi eq, %iota3A, %eq3A_246 : vector<16xi32>
        %broadcast_in_dim3A_248 = vector.broadcast %squeeze3A_209 : i32 to vector<16xi32>
        %select_n3A_249 = arith.select %eq3A_247, %broadcast_in_dim3A_248, %while3A_204 : vector<16xi1>, vector<16xi32>
        %eq3A_250 = arith.constant 15 : i32
        %eq3A_251 = arith.cmpi eq, %and3A_224, %eq3A_250 : i32
        %convert_element_type3A_252 = arith.extui %eq3A_251 : i1 to i32
        %cond3A_253 = arith.constant 0 : i32
        %cond3A_254 = arith.cmpi ne, %convert_element_type3A_252, %cond3A_253 : i32
        scf.if %cond3A_254 {
          %swap3A_262 = arith.index_cast %and3A_228 : i32 to index
          %swap3A_263 = arith.constant 0 : index
          %swap3A_264 = tpu.vector_load %arg12[%swap3A_262, %swap3A_263] {strides = array<i32>} : memref<2x16xi32, #tpu.memory_space<vmem>>, vector<16xi32>,
          tpu.vector_store %arg12[%swap3A_262, %swap3A_263], %select_n3A_249 {strides = array<i32>} : memref<2x16xi32, #tpu.memory_space<vmem>>, vector<16xi32>,
          %ge3A = arith.constant 32 : i32
          %ge3A_265 = arith.cmpi sge, %while3A_203, %ge3A : i32
          %convert_element_type3A_266 = arith.extui %ge3A_265 : i1 to i32
          %cond3A_267 = arith.constant 0 : i32
          %cond3A_268 = arith.cmpi ne, %convert_element_type3A_266, %cond3A_267 : i32
          scf.if %cond3A_268 {
            %dma_wait3A = arith.constant 0 : i32
            %dma_wait3A_279 = arith.constant 0 : i32
            %dma_wait3A_280 = arith.constant 0 : i32
            %dma_wait3A_281 = tpu.memref_slice %arg11[%dma_wait3A, %dma_wait3A_279, %dma_wait3A_280] : memref<2x16x128xf32, #tpu.memory_space<vmem>> -> memref<1x16x128xf32, #tpu.memory_space<vmem>>
            %dma_wait3A_282 = tpu.memref_squeeze %dma_wait3A_281 : memref<1x16x128xf32, #tpu.memory_space<vmem>> -> memref<16x128xf32, #tpu.memory_space<vmem>>
            %dma_wait3A_283 = arith.constant 0 : i32
            %dma_wait3A_284 = arith.constant 0 : i32
            %dma_wait3A_285 = tpu.memref_slice %arg2[%dma_wait3A_283, %dma_wait3A_284] : memref<32x1000000xf32, #tpu.memory_space<hbm>> -> memref<16x128xf32, #tpu.memory_space<hbm>>
            %dma_wait3A_286 = arith.constant 0 : i32
            %dma_wait3A_287 = arith.constant 0 : i32
            %dma_wait3A_288 = tpu.memref_slice %arg11[%dma_wait3A, %dma_wait3A_286, %dma_wait3A_287] : memref<2x16x128xf32, #tpu.memory_space<vmem>> -> memref<1x16x128xf32, #tpu.memory_space<vmem>>
            %dma_wait3A_289 = tpu.memref_squeeze %dma_wait3A_288 : memref<1x16x128xf32, #tpu.memory_space<vmem>> -> memref<16x128xf32, #tpu.memory_space<vmem>>
            %dma_wait3A_290 = arith.constant 0 : i32
            %dma_wait3A_291 = arith.constant 0 : i32
            %dma_wait3A_292 = tpu.memref_slice %arg2[%dma_wait3A_290, %dma_wait3A_291] : memref<32x1000000xf32, #tpu.memory_space<hbm>> -> memref<16x128xf32, #tpu.memory_space<hbm>>
            tpu.wait_dma2 semaphore(%arg15 : memref<!tpu.dma_semaphore, #tpu.memory_space<semaphore_mem>>) src(%dma_wait3A_292 : memref<16x128xf32, #tpu.memory_space<hbm>>) dst(%dma_wait3A_289 : memref<16x128xf32, #tpu.memory_space<vmem>>)
          } else {
          }
          %dma_start3A_269 = arith.constant 0 : i32
          %dma_start3A_270 = arith.constant 0 : i32
          %dma_start3A_271 = tpu.memref_slice %arg11[%and3A_228, %dma_start3A_269, %dma_start3A_270] : memref<2x16x128xf32, #tpu.memory_space<vmem>> -> memref<1x16x128xf32, #tpu.memory_space<vmem>>
          %dma_start3A_272 = tpu.memref_squeeze %dma_start3A_271 : memref<1x16x128xf32, #tpu.memory_space<vmem>> -> memref<16x128xf32, #tpu.memory_space<vmem>>
          %dma_start3A_273 = arith.constant 0 : i32
          %dma_start3A_274 = tpu.memref_slice %arg12[%and3A_228, %dma_start3A_273] : memref<2x16xi32, #tpu.memory_space<vmem>> -> memref<1x16xi32, #tpu.memory_space<vmem>>
          %dma_start3A_275 = tpu.memref_squeeze %dma_start3A_274 : memref<1x16xi32, #tpu.memory_space<vmem>> -> memref<16xi32, #tpu.memory_space<vmem>>
          %dma_start3A_276 = arith.constant 0 : i32
          %dma_start3A_277 = arith.constant 0 : i32
          %dma_start3A_278 = tpu.memref_slice %arg4[%dma_start3A_276, %dma_start3A_277] : memref<16385x128xf32, #tpu.memory_space<hbm>> -> memref<16385x128xf32, #tpu.memory_space<hbm>>
          tpu.enqueue_indirect_dma source(%dma_start3A_272 : memref<16x128xf32, #tpu.memory_space<vmem>>) target(%dma_start3A_278 : memref<16385x128xf32, #tpu.memory_space<hbm>>) offsets(%dma_start3A_275 : memref<16xi32, #tpu.memory_space<vmem>>) semaphore(%arg15 : memref<!tpu.dma_semaphore, #tpu.memory_space<semaphore_mem>>)
        } else {
        }
        %eq3A_255 = arith.constant 15 : i32
        %eq3A_256 = arith.cmpi eq, %and3A_224, %eq3A_255 : i32
        %broadcast_in_dim3A_257 = arith.constant 16384 : i32
        %broadcast_in_dim3A_258 = vector.broadcast %broadcast_in_dim3A_257 : i32 to vector<16xi32>
        %select_n3A_259 = arith.select %eq3A_256, %broadcast_in_dim3A_258, %select_n3A_249 : vector<16xi32>
        %add3A_260 = arith.constant 1 : i32
        %add3A_261 = arith.addi %while3A_203, %add3A_260 : i32
        scf.yield %add3A_261, %select_n3A_259 : i32, vector<16xi32>
      }
      scf.yield %while3A_201#0, %while3A_201#1 : i32, vector<16xi32>
    }
    %scan3A_55 = arith.constant 32 : i32
    %shift_right_logical3A_56 = arith.constant 4 : i32
    %shift_right_logical3A_57 = arith.shrui %scan3A_54#0, %shift_right_logical3A_56 : i32
    %and3A = arith.constant 15 : i32
    %and3A_58 = arith.andi %scan3A_54#0, %and3A : i32
    %ne3A = arith.constant 0 : i32
    %ne3A_59 = arith.cmpi ne, %and3A_58, %ne3A : i32
    %convert_element_type3A_60 = arith.extui %ne3A_59 : i1 to i32
    %cond3A = arith.constant 0 : i32
    %cond3A_61 = arith.cmpi ne, %convert_element_type3A_60, %cond3A : i32
    scf.if %cond3A_61 {
      %and3A_78 = arith.constant 1 : i32
      %and3A_79 = arith.andi %shift_right_logical3A_57, %and3A_78 : i32
      %swap3A = arith.index_cast %and3A_79 : i32 to index
      %swap3A_80 = arith.constant 0 : index
      %swap3A_81 = tpu.vector_load %arg12[%swap3A, %swap3A_80] {strides = array<i32>} : memref<2x16xi32, #tpu.memory_space<vmem>>, vector<16xi32>,
      tpu.vector_store %arg12[%swap3A, %swap3A_80], %scan3A_54#1 {strides = array<i32>} : memref<2x16xi32, #tpu.memory_space<vmem>>, vector<16xi32>,
      %ge3A = arith.constant 2 : i32
      %ge3A_82 = arith.cmpi sge, %shift_right_logical3A_57, %ge3A : i32
      %convert_element_type3A_83 = arith.extui %ge3A_82 : i1 to i32
      %cond3A_84 = arith.constant 0 : i32
      %cond3A_85 = arith.cmpi ne, %convert_element_type3A_83, %cond3A_84 : i32
      scf.if %cond3A_85 {
        %dma_wait3A = arith.constant 0 : i32
        %dma_wait3A_96 = arith.constant 0 : i32
        %dma_wait3A_97 = arith.constant 0 : i32
        %dma_wait3A_98 = tpu.memref_slice %arg11[%dma_wait3A, %dma_wait3A_96, %dma_wait3A_97] : memref<2x16x128xf32, #tpu.memory_space<vmem>> -> memref<1x16x128xf32, #tpu.memory_space<vmem>>
        %dma_wait3A_99 = tpu.memref_squeeze %dma_wait3A_98 : memref<1x16x128xf32, #tpu.memory_space<vmem>> -> memref<16x128xf32, #tpu.memory_space<vmem>>
        %dma_wait3A_100 = arith.constant 0 : i32
        %dma_wait3A_101 = arith.constant 0 : i32
        %dma_wait3A_102 = tpu.memref_slice %arg2[%dma_wait3A_100, %dma_wait3A_101] : memref<32x1000000xf32, #tpu.memory_space<hbm>> -> memref<16x128xf32, #tpu.memory_space<hbm>>
        %dma_wait3A_103 = arith.constant 0 : i32
        %dma_wait3A_104 = arith.constant 0 : i32
        %dma_wait3A_105 = tpu.memref_slice %arg11[%dma_wait3A, %dma_wait3A_103, %dma_wait3A_104] : memref<2x16x128xf32, #tpu.memory_space<vmem>> -> memref<1x16x128xf32, #tpu.memory_space<vmem>>
        %dma_wait3A_106 = tpu.memref_squeeze %dma_wait3A_105 : memref<1x16x128xf32, #tpu.memory_space<vmem>> -> memref<16x128xf32, #tpu.memory_space<vmem>>
        %dma_wait3A_107 = arith.constant 0 : i32
        %dma_wait3A_108 = arith.constant 0 : i32
        %dma_wait3A_109 = tpu.memref_slice %arg2[%dma_wait3A_107, %dma_wait3A_108] : memref<32x1000000xf32, #tpu.memory_space<hbm>> -> memref<16x128xf32, #tpu.memory_space<hbm>>
        tpu.wait_dma2 semaphore(%arg15 : memref<!tpu.dma_semaphore, #tpu.memory_space<semaphore_mem>>) src(%dma_wait3A_109 : memref<16x128xf32, #tpu.memory_space<hbm>>) dst(%dma_wait3A_106 : memref<16x128xf32, #tpu.memory_space<vmem>>)
      } else {
      }
      %dma_start3A_86 = arith.constant 0 : i32
      %dma_start3A_87 = arith.constant 0 : i32
      %dma_start3A_88 = tpu.memref_slice %arg11[%and3A_79, %dma_start3A_86, %dma_start3A_87] : memref<2x16x128xf32, #tpu.memory_space<vmem>> -> memref<1x16x128xf32, #tpu.memory_space<vmem>>
      %dma_start3A_89 = tpu.memref_squeeze %dma_start3A_88 : memref<1x16x128xf32, #tpu.memory_space<vmem>> -> memref<16x128xf32, #tpu.memory_space<vmem>>
      %dma_start3A_90 = arith.constant 0 : i32
      %dma_start3A_91 = tpu.memref_slice %arg12[%and3A_79, %dma_start3A_90] : memref<2x16xi32, #tpu.memory_space<vmem>> -> memref<1x16xi32, #tpu.memory_space<vmem>>
      %dma_start3A_92 = tpu.memref_squeeze %dma_start3A_91 : memref<1x16xi32, #tpu.memory_space<vmem>> -> memref<16xi32, #tpu.memory_space<vmem>>
      %dma_start3A_93 = arith.constant 0 : i32
      %dma_start3A_94 = arith.constant 0 : i32
      %dma_start3A_95 = tpu.memref_slice %arg4[%dma_start3A_93, %dma_start3A_94] : memref<16385x128xf32, #tpu.memory_space<hbm>> -> memref<16385x128xf32, #tpu.memory_space<hbm>>
      tpu.enqueue_indirect_dma source(%dma_start3A_89 : memref<16x128xf32, #tpu.memory_space<vmem>>) target(%dma_start3A_95 : memref<16385x128xf32, #tpu.memory_space<hbm>>) offsets(%dma_start3A_92 : memref<16xi32, #tpu.memory_space<vmem>>) semaphore(%arg15 : memref<!tpu.dma_semaphore, #tpu.memory_space<semaphore_mem>>)
    } else {
    }
    %add3A_62 = arith.constant 16 : i32
    %add3A_63 = arith.addi %scan3A_54#0, %add3A_62 : i32
    %sub3A_64 = arith.constant 1 : i32
    %sub3A_65 = arith.subi %add3A_63, %sub3A_64 : i32
    %shift_right_logical3A_66 = arith.constant 4 : i32
    %shift_right_logical3A_67 = arith.shrui %sub3A_65, %shift_right_logical3A_66 : i32
    %min3A = arith.constant 2 : i32
    %min3A_68 = arith.minsi %shift_right_logical3A_67, %min3A : i32
    %while3A = arith.constant 0 : i32
    %while3A_69 = arith.constant 0 : i32
    %while3A_70 = arith.subi %min3A_68, %while3A_69 : i32
    %while3A_71 = arith.addi %while3A_69, %while3A_70 : i32
    %while3A_72 = arith.constant 1 : i32
    %while3A_73 = arith.divsi %while3A_70, %while3A_72 : i32
    %while3A_74 = arith.muli %while3A_73, %while3A_72 : i32
    %while3A_75 = arith.addi %while3A_69, %while3A_74 : i32
    %while3A_76 = arith.constant 1 : i32
    scf.for %while3A_78 = %while3A_69 to %while3A_75 step %while3A_76  : i32 {
      %dma_wait3A = arith.constant 0 : i32
      %dma_wait3A_79 = arith.constant 0 : i32
      %dma_wait3A_80 = arith.constant 0 : i32
      %dma_wait3A_81 = tpu.memref_slice %arg11[%dma_wait3A, %dma_wait3A_79, %dma_wait3A_80] : memref<2x16x128xf32, #tpu.memory_space<vmem>> -> memref<1x16x128xf32, #tpu.memory_space<vmem>>
      %dma_wait3A_82 = tpu.memref_squeeze %dma_wait3A_81 : memref<1x16x128xf32, #tpu.memory_space<vmem>> -> memref<16x128xf32, #tpu.memory_space<vmem>>
      %dma_wait3A_83 = arith.constant 0 : i32
      %dma_wait3A_84 = arith.constant 0 : i32
      %dma_wait3A_85 = tpu.memref_slice %arg2[%dma_wait3A_83, %dma_wait3A_84] : memref<32x1000000xf32, #tpu.memory_space<hbm>> -> memref<16x128xf32, #tpu.memory_space<hbm>>
      %dma_wait3A_86 = arith.constant 0 : i32
      %dma_wait3A_87 = arith.constant 0 : i32
      %dma_wait3A_88 = tpu.memref_slice %arg11[%dma_wait3A, %dma_wait3A_86, %dma_wait3A_87] : memref<2x16x128xf32, #tpu.memory_space<vmem>> -> memref<1x16x128xf32, #tpu.memory_space<vmem>>
      %dma_wait3A_89 = tpu.memref_squeeze %dma_wait3A_88 : memref<1x16x128xf32, #tpu.memory_space<vmem>> -> memref<16x128xf32, #tpu.memory_space<vmem>>
      %dma_wait3A_90 = arith.constant 0 : i32
      %dma_wait3A_91 = arith.constant 0 : i32
      %dma_wait3A_92 = tpu.memref_slice %arg2[%dma_wait3A_90, %dma_wait3A_91] : memref<32x1000000xf32, #tpu.memory_space<hbm>> -> memref<16x128xf32, #tpu.memory_space<hbm>>
      tpu.wait_dma2 semaphore(%arg15 : memref<!tpu.dma_semaphore, #tpu.memory_space<semaphore_mem>>) src(%dma_wait3A_92 : memref<16x128xf32, #tpu.memory_space<hbm>>) dst(%dma_wait3A_89 : memref<16x128xf32, #tpu.memory_space<vmem>>)
    }
    %while3A_77 = arith.constant 1 : i32
    scf.for %while3A_78 = %while3A_75 to %while3A_71 step %while3A_77  : i32 {
      %dma_wait3A = arith.constant 0 : i32
      %dma_wait3A_79 = arith.constant 0 : i32
      %dma_wait3A_80 = arith.constant 0 : i32
      %dma_wait3A_81 = tpu.memref_slice %arg11[%dma_wait3A, %dma_wait3A_79, %dma_wait3A_80] : memref<2x16x128xf32, #tpu.memory_space<vmem>> -> memref<1x16x128xf32, #tpu.memory_space<vmem>>
      %dma_wait3A_82 = tpu.memref_squeeze %dma_wait3A_81 : memref<1x16x128xf32, #tpu.memory_space<vmem>> -> memref<16x128xf32, #tpu.memory_space<vmem>>
      %dma_wait3A_83 = arith.constant 0 : i32
      %dma_wait3A_84 = arith.constant 0 : i32
      %dma_wait3A_85 = tpu.memref_slice %arg2[%dma_wait3A_83, %dma_wait3A_84] : memref<32x1000000xf32, #tpu.memory_space<hbm>> -> memref<16x128xf32, #tpu.memory_space<hbm>>
      %dma_wait3A_86 = arith.constant 0 : i32
      %dma_wait3A_87 = arith.constant 0 : i32
      %dma_wait3A_88 = tpu.memref_slice %arg11[%dma_wait3A, %dma_wait3A_86, %dma_wait3A_87] : memref<2x16x128xf32, #tpu.memory_space<vmem>> -> memref<1x16x128xf32, #tpu.memory_space<vmem>>
      %dma_wait3A_89 = tpu.memref_squeeze %dma_wait3A_88 : memref<1x16x128xf32, #tpu.memory_space<vmem>> -> memref<16x128xf32, #tpu.memory_space<vmem>>
      %dma_wait3A_90 = arith.constant 0 : i32
      %dma_wait3A_91 = arith.constant 0 : i32
      %dma_wait3A_92 = tpu.memref_slice %arg2[%dma_wait3A_90, %dma_wait3A_91] : memref<32x1000000xf32, #tpu.memory_space<hbm>> -> memref<16x128xf32, #tpu.memory_space<hbm>>
      tpu.wait_dma2 semaphore(%arg15 : memref<!tpu.dma_semaphore, #tpu.memory_space<semaphore_mem>>) src(%dma_wait3A_92 : memref<16x128xf32, #tpu.memory_space<hbm>>) dst(%dma_wait3A_89 : memref<16x128xf32, #tpu.memory_space<vmem>>)
    }
    return
  }
}

</mosaic_0001>

<sc_bundles>
// kernel: kernel.3.cloned.1.call-start
scs
__scs_entry_jumppad:
0x0: {  	(pc) =	sbr.rel $0x88, $3  }
0x1: {  	(tag) =	ssettag $0x0;
	lr =	simm.s32 $0x1  }
0x2: {  	[smem:$0x3F9F] =	sst lr;
	_ =	strace $0xD0000000  }
0x3: {  	_ = 	snop  }
0x4: {  	_ = 	snop  }
0x5: {  	_ = 	snop  }
0x6: {  	_ = 	snop  }
0x7: {  	_ = 	snop  }
__scs_overlays_trampoline_lowered:
0x8: {  	[smem:$0x3FAE] =	sst s0  }
0x9: {  	[smem:$0x3FAF] =	sst s1  }
0xa: {  	[smem:$0x3FB0] =	sst s2  }
0xb: {  	[smem:$0x3FB1] =	sst s3  }
0xc: {  	[smem:$0x3FB2] =	sst s4  }
0xd: {  	[smem:$0x3FB3] =	sst s5  }
0xe: {  	[smem:$0x3FB4] =	sst s6  }
0xf: {  	[smem:$0x3FB5] =	sst s7  }
0x10: {  	[smem:$0x3FB6] =	sst s8  }
0x11: {  	[smem:$0x3FB7] =	sst s9;
	s0 =	simm.s32 @!p0 $0x0  }
0x12: {  	s1 =	sld [smem:$0x3F9D];
	s0 =	simm.s32 @p0 $0x1  }
0x13: {  	[smem:$0x3FB8] =	sst s0;
	s0 =	simm.s32 @!p1 $0x0  }
0x14: {  	s2 =	sld [smem:$0x3F9C];
	s0 =	simm.s32 @p1 $0x1  }
0x15: {  	[smem:$0x3FB9] =	sst s0;
	s0 =	simm.s32 @!p2 $0x0  }
0x16: {  	s3 =	sld [smem:$0x3FDB];
	s0 =	simm.s32 @p2 $0x1  }
0x17: {  	s4 =	simm.s32 $0x1BF5;
	[smem:$0x3FBB] =	sst s0  }
0x18: {  	s0 =	sld [smem:$0x3F9E];
	_ =	swait.ge [sflag:s4], $0x0  }
0x19: {  	s7 =	sld [smem:$0x3F9F]  }
0x1a: {  	s8 =	sadd.s32 $0xFFFFE003, lr  }
0x1b: {  	s9 =	sadd.s32 $0xFFFFFEF7, lr;
	s5 =	simm.s32 $0xFFFFFFFF;
	p2 =	slt.u32 s8, $0xFFFFF086  }
0x1c: {  	p1 =	slt.u32 s9, $0xF7A;
	s5 =	simm.s32 @!p2 $0x0  }
0x1d: {  	s5 =	simm.s32 @p1 $0x1;
	p0 =	seq.s32 s7, s2  }
0x1e: {  	s7 =	smul.u32 @!p0 $0xF7A, s2;
	p2 =	seq.s32 @!p0 s5, $0x0  }
0x1f: {  	s9 =	smul.u32 $0xF7A, s1;
	s8 =	simm.s32 @!p0 $0x1BF5;
	p2 =	por !p2, p0  }
0x20: {  	[sflag:s8] =	ssyncset.s32 @!p0 $0xFFFFF086;
	s6 =	sadd.s32 @!p0 s3, s7;
	s7 =	simm.s32 @!p0 $0x108  }
0x21: {  	s3 =	sadd.s32 s3, s9;
	s6 =	sadd.s32 @!p0 $0x88, s6;
	s7 =	simm.s32 @p2 $0x1082  }
0x22: {  	[simem:s7], [sflag:s8] =	dma.local @!p0 [hbm:s6], $0xF7A  }
0x23: {  	s9 =	sor.u32 $0xD0000000, s2;
	s6 =	simm.s32 $0x108;
	_ =	swait.ge @!p0 [sflag:s8], $0x0  }
0x24: {  	s3 =	sadd.s32 $0x88, s3;
	s6 =	simm.s32 @!p1 $0x1082;
	[sflag:s4] =	ssyncset.s32 $0xFFFFF086  }
0x25: {  	[simem:s6], [sflag:s4] =	dma.local [hbm:s3], $0xF7A  }
0x26: {  	[smem:$0x3F9F] =	sst s1;
	(tag) =	ssettag s2;
	_ =	strace s9  }
0x27: {  	s1 =	sld [smem:$0x3FAF]  }
0x28: {  	s2 =	sld [smem:$0x3FB0]  }
0x29: {  	s4 =	sld [smem:$0x3FB2]  }
0x2a: {  	p0 =	seq.s32 s5, $0x0;
	s5 =	sld [smem:$0x3FB3]  }
0x2b: {  	s6 =	sld [smem:$0x3FB4]  }
0x2c: {  	s7 =	sld [smem:$0x3FB5]  }
0x2d: {  	s3 =	simm.s32 $0x108;
	s8 =	sld [smem:$0x3FB6]  }
0x2e: {  	s3 =	simm.s32 @!p0 $0x1082;
	s9 =	sld [smem:$0x3FB7]  }
0x2f: {  	lr =	sadd.s32 s0, s3;
	s0 =	sld [smem:$0x3FAE]  }
0x30: {  	s3 =	sld [smem:$0x3FB1]  }
0x31: {  	[smem:$0x3FBA] =	sst s10  }
0x32: {  	s10 =	sld [smem:$0x3FB8];
	_ =	sdelay $0x3  }
0x33: {  	p0 =	seq.s32 s10, $0x1;
	s10 =	sld [smem:$0x3FBA];
	_ =	sdelay $0x3  }
0x34: {  	[smem:$0x3FBA] =	sst s10  }
0x35: {  	s10 =	sld [smem:$0x3FB9];
	_ =	sdelay $0x3  }
0x36: {  	p1 =	seq.s32 s10, $0x1;
	s10 =	sld [smem:$0x3FBA];
	_ =	sdelay $0x3  }
0x37: {  	[smem:$0x3FBA] =	sst s10  }
0x38: {  	s10 =	sld [smem:$0x3FBB]  }
0x39: {  	_ = 	snop;
	(pc) =	sbr.ind lr, $3  }
0x3a: {  	_ = 	snop  }
0x3b: {  	_ = 	snop  }
0x3c: {  	p2 =	seq.s32 s10, $0x1;
	s10 =	sld [smem:$0x3FBA]  }
0x3d: {  	_ =	shalt  }
0x3e: {  	_ =	shalt  }
0x3f: {  	_ =	shalt  }
0x40: {  	_ =	shalt  }
0x41: {  	_ =	shalt  }
0x42: {  	_ =	shalt  }
0x43: {  	_ =	shalt  }
0x44: {  	_ =	shalt  }
0x45: {  	_ =	shalt  }
0x46: {  	_ =	shalt  }
0x47: {  	_ =	shalt  }
0x48: {  	_ =	shalt  }
0x49: {  	_ =	shalt  }
0x4a: {  	_ =	shalt  }
0x4b: {  	_ =	shalt  }
0x4c: {  	_ =	shalt  }
0x4d: {  	_ =	shalt  }
0x4e: {  	_ =	shalt  }
0x4f: {  	_ =	shalt  }
0x50: {  	_ =	shalt  }
0x51: {  	_ =	shalt  }
0x52: {  	_ =	shalt  }
0x53: {  	_ =	shalt  }
0x54: {  	_ =	shalt  }
0x55: {  	_ =	shalt  }
0x56: {  	_ =	shalt  }
0x57: {  	_ =	shalt  }
0x58: {  	_ =	shalt  }
0x59: {  	_ =	shalt  }
0x5a: {  	_ =	shalt  }
0x5b: {  	_ =	shalt  }
0x5c: {  	_ =	shalt  }
0x5d: {  	_ =	shalt  }
0x5e: {  	_ =	shalt  }
0x5f: {  	_ =	shalt  }
0x60: {  	_ =	shalt  }
0x61: {  	_ =	shalt  }
0x62: {  	_ =	shalt  }
0x63: {  	_ =	shalt  }
0x64: {  	_ =	shalt  }
0x65: {  	_ =	shalt  }
0x66: {  	_ =	shalt  }
0x67: {  	_ =	shalt  }
0x68: {  	_ =	shalt  }
0x69: {  	_ =	shalt  }
0x6a: {  	_ =	shalt  }
0x6b: {  	_ =	shalt  }
0x6c: {  	_ =	shalt  }
0x6d: {  	_ =	shalt  }
0x6e: {  	_ =	shalt  }
0x6f: {  	_ =	shalt  }
0x70: {  	_ =	shalt  }
0x71: {  	_ =	shalt  }
0x72: {  	_ =	shalt  }
0x73: {  	_ =	shalt  }
0x74: {  	_ =	shalt  }
0x75: {  	_ =	shalt  }
0x76: {  	_ =	shalt  }
0x77: {  	_ =	shalt  }
0x78: {  	_ =	shalt  }
0x79: {  	_ =	shalt  }
0x7a: {  	_ =	shalt  }
0x7b: {  	_ =	shalt  }
0x7c: {  	_ =	shalt  }
0x7d: {  	_ =	shalt  }
0x7e: {  	_ =	shalt  }
0x7f: {  	_ =	shalt  }
0x80: {  	_ =	shalt  }
0x81: {  	_ =	shalt  }
0x82: {  	_ =	shalt  }
0x83: {  	_ =	shalt  }
0x84: {  	_ =	shalt  }
0x85: {  	_ =	shalt  }
0x86: {  	_ =	shalt  }
0x87: {  	_ =	shalt  }
.Lfunc_end0:
.L_simem_size_0:
called_computation_lowered:
.L_overlay_start_0:
0x88: {  	s2 =	sld [smem:$0x3FD9]  }
0x89: {  	s3 =	sld [smem:$0x3FFE];
	_ =	sdelay $0x1  }
0x8a: {  	s1 =	srdreg.scid  }
0x8b: {  	s0 =	sand.u32 $0x1, s1  }
0x8c: {  	s17 =	sshll.u32 s0, $0xA;
	s2 =	sadd.s32 s3, s2  }
0x8d: {  	s2 =	sadd.s32 s2, s17  }
0x8e: {  	[smem:$0x3FC6] =	sst s2  }
0x8f: {  	_ = 	snop  }
0x90: {  	s2 =	sld [smem:$0x3FC9]  }
0x91: {  	s18 =	sld [smem:$0x3FC8];
	(tm) =	ssettm $0x1  }
0x92: {  	s4 =	sld [smem:$0x3FFB];
	_ =	sdelay $0x3  }
0x93: {  	_ =	strace s4  }
0x94: {  	s4 =	sld [smem:$0x3FFC];
	_ =	sdelay $0x3  }
0x95: {  	_ =	strace s4  }
0x96: {  	s4 =	sld [smem:$0x3FFD];
	_ =	sdelay $0x3  }
0x97: {  	_ =	strace s4  }
0x98: {  	_ =	strace $0x8FFFFFFF  }
0x99: {  	s19 =	sld [smem:$0x3FDB];
	_ =	sdelay $0x1  }
0x9a: {  	s5 =	simm.s32 $_scs_section_size  }
0x9b: {  	s6 =	simm.s32 $_size__tile_overlayer_lowered;
	s7 =	simm.s32 $_tile_overlayer_lowered  }
0x9c: {  	s22 =	simm.s32 $0x1BFF;
	s21 =	sshll.u32 s7, $0x1;
	s4 =	sadd.s32 s5, s19  }
0x9d: {  	s8 =	simm.s32 $0x0;
	s20 =	sshll.u32 s6, $0x1;
	s6 =	sadd.s32 s21, s4  }
0x9e: {  	[timem:s8], [sflag:s22] =	dma.local [hbm:s6], s20  }
0x9f: {  	_ =	swait.ge [sflag:s22], s20  }
0xa0: {  	s5 =	ssub.s32 $0x0, s20;
	[sflag:s22] =	ssyncset.done $0x0  }
0xa1: {  	[sflag:s22] =	ssyncadd.s32 s5;
	_ =	sdelay $0x1  }
0xa2: {  	s23 =	simm.s32 $0x1B8B  }
0xa3: {  	_ =	swait.ge [sflag:s23], $0x1  }
0xa4: {  	[sflag:s23] =	ssyncset.done $0x0  }
0xa5: {  	s25 =	simm.s32 $0x1B8E;
	s24 =	sld [smem:$0x3FFE];
	[sflag:s23] =	ssyncadd.s32 $0xFFFFFFFF  }
0xa6: {  	s26 =	simm.s32 $execute0_lowered;
	[smem:$0x3FD2] =	sst s25  }
0xa7: {  	s6 =	sshll.u32 s26, $0x1;
	_ =	strace $0x80000046;
	[dreg:$0x1] =	wrdreg $0xFFFFFFFF  }
0xa8: {  	s28 =	simm.s32 $_size_execute0_lowered;
	s4 =	sadd.s32 s4, s6;
	[dreg:$0x0] =	wrdreg $0x0  }
0xa9: {  	s6 =	sshll.u32 s28, $0x1;
	[dreg:$0x2] =	wrdreg s4  }
0xaa: {  	[dreg:$0x3] =	wrdreg s6  }
0xab: {  	[dreg:$0x4] =	wrdreg $0xC0  }
0xac: {  	_ =	task [dreg:s8], $0x5FFFF  }
0xad: {  	[dreg:$0x1] =	wrdreg $0xFFFFFFFF  }
0xae: {  	[dreg:$0x0] =	wrdreg $0x60  }
0xaf: {  	[dreg:$0x2] =	wrdreg s2  }
0xb0: {  	[dreg:$0x3] =	wrdreg s18  }
0xb1: {  	[dreg:$0x4] =	wrdreg s24  }
0xb2: {  	[dreg:$0x5] =	wrdreg $0x9  }
0xb3: {  	_ =	task.clear_ibuf [dreg:s8], $0x6FFFF;
	_ =	strace $0x90000046  }
0xb4: {  	s29 =	simm.s32 $0x9;
	_ =	strace $0x80000048  }
0xb5: {  	_ =	swait.ge [sflag:s29], $0x1  }
0xb6: {  	[sflag:s29] =	ssyncadd.s32 $0xFFFFFFFF  }
0xb7: {  	_ =	strace $0x90000048  }
0xb8: {  	_ =	sfence  }
0xb9: {  	s30 =	sld [smem:$0x0];
	_ =	sdelay $0x2  }
0xba: {  	s31 =	sshll.u32 s1, $0xD;
	s1 =	sshrl.u32 s1, $0x2  }
0xbb: {  	s3 =	sand.u32 $0x4000, s31;
	s1 =	sadd.s32 s1, s30  }
0xbc: {  	s0 =	sor.u32 s3, s0;
	s1 =	sshll.u32 s1, $0x11  }
0xbd: {  	s0 =	sor.u32 s1, s0  }
0xbe: {  	s0 =	sadd.s32 $0x8F2B, s0  }
0xbf: {  	[sflag:s0] =	ssyncadd.remote.s32 $0x1  }
0xc0: {  	_ =	sfence.sel $0xFFFF  }
0xc1: {  	[dreg:$0x0] =	wrdreg $0xFFFFFFFF;
	(pc) =	sbr.abs _section_cstart, $3  }
0xc2: {  	[dreg:$0x1] =	wrdreg $0xFFFFFFFF  }
0xc3: {  	_ =	task.clear_ibuf [dreg:s8], $0x2FFFF;
	_ =	strace $0x9FFFFFFF  }
0xc4: {  	(tm) =	ssettm $0x7FFFFFFF  }
0xc5: {  	_ =	shalt  }
tec
execute0_lowered:
.L_overlay_start_1:
0x0: {  	(tag) =	ssettag $0x1  }
0x1: {  	v2 =	vimm.s32 $0x1380;
	vm0 =	vcmask $0x300  }
0x2: {  	v3 =	vimm.s32 $0x3380;
	vm1 =	vcmask $0x704;
	vm15 =	vcmask $0xB08  }
0x3: {  	vm4 =	vcmask $0xF0C;
	v2 =	vsel vm0, $0x0, v2;
	v3 =	vsel vm0, $0x2000, v3  }
0x4: {  	vm5 =	vcmask $0x1310;
	v2 =	vsel vm1, $0x80, v2;
	v3 =	vsel vm1, $0x2080, v3  }
0x5: {  	s1 =	srdreg.scid;
	vm6 =	vcmask $0x1714;
	v2 =	vsel vm15, $0x100, v2;
	v3 =	vsel vm15, $0x2100, v3  }
0x6: {  	s0 =	stileid.u32;
	vm7 =	vcmask $0x1B18;
	s6 =	rddreg [dreg:$0x2];
	v2 =	vsel vm4, $0x180, v2;
	v3 =	vsel vm4, $0x2180, v3  }
0x7: {  	s2 =	simm.s32 $0x5;
	vm8 =	vcmask $0x1F1C;
	s3 =	rddreg [dreg:$0x3];
	s4 =	simm.s32 $0x0;
	v2 =	vsel vm5, $0x200, v2;
	v3 =	vsel vm5, $0x2200, v3  }
0x8: {  	vm9 =	vcmask $0x2320;
	s11 =	simm.s32 $0x4;
	s12 =	simm.s32 $0x7A1400;
	s13 =	simm.s32 $0x14200;
	v2 =	vsel vm6, $0x280, v2;
	v3 =	vsel vm6, $0x2280, v3  }
0x9: {  	vm10 =	vcmask $0x2724;
	s14 =	simm.s32 $0x3;
	s5 =	sand.u32 $0x1, s1;
	s31 =	sshll.u32 s0, $0x1;
	v2 =	vsel vm7, $0x300, v2;
	v3 =	vsel vm7, $0x2300, v3  }
0xa: {  	vm11 =	vcmask $0x2B28;
	s15 =	simm.s32 $0x18200;
	s16 =	simm.s32 $0x0;
	s8 =	sor.u32 s5, s31;
	v2 =	vsel vm8, $0x380, v2;
	v3 =	vsel vm8, $0x2380, v3  }
0xb: {  	vm12 =	vcmask $0x2F2C;
	[smem:$0x7FF] =	sst s4;
	s7 =	ssub.s32 $0x2, s5;
	s1 =	smul.u32 $0xF4, s8;
	v2 =	vsel vm9, $0x1000, v2;
	v3 =	vsel vm9, $0x3000, v3  }
0xc: {  	vm13 =	vcmask $0x3330;
	s5 =	sadd.s32 $0x400, s6;
	p0 =	seq.s32 s8, $0x1F;
	s9 =	smul.u32 $0x7A00, s8;
	v2 =	vsel vm10, $0x1080, v2;
	v3 =	vsel vm10, $0x3080, v3  }
.Ltmp0:
0xd: {  	vm14 =	vcmask $0x3734;
	s6 =	simm.s32 $0x3F;
	s2 =	simm.s32 @!p0 $0x0;
	v2 =	vsel vm11, $0x1100, v2;
	v3 =	vsel vm11, $0x3100, v3;
	(pc) =	sbr.rel .LBB2_1-.Ltmp0, $4  }
0xe: {  	s10 =	sshrl.u32 s7, $0x1;
	s8 =	smul.u32 $0x3D, s8;
	vm15 =	vcmask $0x3B38;
	s2 =	sadd.s32 s2, s1;
	v2 =	vsel vm12, $0x1180, v2;
	v3 =	vsel vm12, $0x3180, v3  }
0xf: {  	s10 =	ssub.s32 s7, s10;
	v0 =	vmov s1;
	s1 =	rddreg [dreg:$0x0];
	s2 =	sadd.s32 $0xF4, s2;
	v2 =	vsel vm13, $0x1200, v2;
	v3 =	vsel vm13, $0x3200, v3  }
0x10: {  	s6 =	simm.s32 @!p0 $0x3D;
	s7 =	sadd.s32 s1, s9;
	s9 =	smax.u32 s10, $0x1;
	v1 =	vmov s2;
	v4 =	vsel vm14, $0x1280, v2;
	v5 =	vsel vm14, $0x3280, v3  }
0x11: {  	s10 =	simm.s32 $0x1000;
	s2 =	rddreg [dreg:$0x1];
	_ =	strace $0x80000047;
	v2 =	vlaneseq.u32;
	v3 =	vsel vm15, $0x1300, v4;
	v4 =	vsel vm15, $0x3300, v5  }
.LBB2_26:
0x12: {  	[sflag:s14] =	ssyncadd.s32 $0xFFFFF800  }
.LBB2_27:
0x13: {  	s16 =	sadd.s32 $0x1, s16  }
0x14: {  	p0 =	sne.s32 s16, s9  }
.Ltmp1:
0x15: {  	_ = 	snop;
	(pc) =	sbr.rel @!p0 .LBB2_28-.Ltmp1, $1  }
0x16: {  	_ =	sdelay $0x3  }
.LBB2_1:
0x17: {  	[tilespmem:s4], [sflag:$0x4] =	stream.linear.gather [hbm4b:s2+s4], $0x4000, $0x38;
	[tilespmem:$0x1D300] =	vst v63  }
0x18: {  	_ =	swait.ge [sflag:s11], $0x4000  }
0x19: {  	[sflag:s11] =	ssyncset.done $0x0  }
0x1a: {  	[sflag:s11] =	ssyncadd.s32 $0xFFFFC000  }
0x1b: {  	v5 =	vld [tilespmem:s4+$0x0];
	_ =	sdelay $0x4  }
0x1c: {  	v6 =	vshrl.u32 v5, $0x7  }
0x1d: {  	vm0 =	vge.u32 v6, v0;
	vm1 =	vlt.u32 v6, v1  }
0x1e: {  	vm0 =	vmand vm0, vm1  }
0x1f: {  	v6 =	vmpcnt.ones.xlane vm0;
	_ =	sdelay $0x1  }
0x20: {  	(v2sf) =	vpush v6, $0x0;
	_ =	sdelay $0x3  }
0x21: {  	[tilespmem:s4+$0x4000] =	vst.msk vm0, v5;
	v5 =	vor.u32 s4, v2  }
0x22: {  	s17 =	simm.s32 $0x10;
	[tilespmem:s4+$0x8080] =	vst.msk vm0, v5  }
0x23: {  	s19 =	simm.s32 $0x20;
	s18 =	simm.s32 $0x0;
	s20 =	simm.s32 $0x10;
	v5 =	vld [tilespmem:s17+$0x0]  }
.LBB2_2:
0x24: {  	p0 =	sne.s32 s19, $0x3FF0;
	_ =	sdelay $0x3  }
0x25: {  	v6 =	vshrl.u32 v5, $0x7  }
0x26: {  	vm0 =	vge.u32 v6, v0;
	vm1 =	vlt.u32 v6, v1  }
0x27: {  	vm0 =	vmand vm0, vm1  }
0x28: {  	v6 =	vmpcnt.ones.xlane vm0  }
0x29: {  	s21 =	spop (v2sf)  }
0x2a: {  	(v2sf) =	vpush v6, $0x0;
	s18 =	sadd.s32 s18, s21  }
0x2b: {  	v6 =	vor.u32 s17, v2;
	s17 =	smov.u32 s19;
	[tilespmem:s18+$0x4000] =	vst.msk vm0, v5  }
.Ltmp2:
0x2c: {  	[tilespmem:s18+$0x8080] =	vst.msk vm0, v6;
	(pc) =	sbr.rel @p0 .LBB2_2-.Ltmp2, $3  }
0x2d: {  	_ =	sdelay $0x1  }
0x2e: {  	s20 =	sadd.s32 $0x10, s20  }
0x2f: {  	s19 =	sadd.s32 $0x10, s19;
	v5 =	vld [tilespmem:s20+$0x0]  }
0x30: {  	_ =	sdelay $0x3  }
0x31: {  	v6 =	vshrl.u32 v5, $0x7  }
0x32: {  	vm0 =	vge.u32 v6, v0;
	vm1 =	vlt.u32 v6, v1  }
0x33: {  	vm0 =	vmand vm0, vm1  }
0x34: {  	v6 =	vmpcnt.ones.xlane vm0;
	_ =	sdelay $0x1  }
0x35: {  	(v2sf) =	vpush v6, $0x0;
	_ =	sdelay $0x9  }
0x36: {  	s19 =	spop (v2sf)  }
0x37: {  	s18 =	sadd.s32 s18, s19  }
0x38: {  	v6 =	vor.u32 s17, v2;
	[tilespmem:s18+$0x4000] =	vst.msk vm0, v5  }
0x39: {  	[tilespmem:s18+$0x8080] =	vst.msk vm0, v6  }
0x3a: {  	[tilespmem:s13], [sflag:$0x1] =	stream.strided.gather [hbm4b:s7+s10], $0x4000, s12, s10, $0x38;
	[tilespmem:$0x1D300] =	vst v63  }
.Ltmp3:
0x3b: {  	s29 =	spop (v2sf);
	(pc) =	sbr.rel .LBB2_4-.Ltmp3, $4  }
0x3c: {  	s30 =	sadd.s32 s18, s29  }
0x3d: {  	s31 =	sadd.s32 $0xF, s30  }
0x3e: {  	s18 =	sshrl.u32 s31, $0x4  }
0x3f: {  	s17 =	simm.s32 $0x0;
	s19 =	simm.s32 $0x0;
	v6 =	vimm.s32 $0x4000;
	v5 =	vmov s30;
	p0 =	seq.s32 s18, $0x0  }
.LBB2_21:
0x40: {  	[sflag:s26] =	ssyncadd.s32 @!p3 $0xFFFFF800;
	s17 =	sadd.s32 $0x1, s17  }
0x41: {  	[hbm4b:s5+s28] =	stream.indirect.scatter @!p2 [tilespmem:s24], [sflag:$0x3], $0x80, s25, s28, $0xb8;
	[tilespmem:$0x1D300] =	vst v63  }
.LBB2_22:
0x42: {  	s19 =	sadd.s32 $0x1, s19  }
0x43: {  	p1 =	sne.s32 s19, $0x20  }
.Ltmp4:
0x44: {  	_ = 	snop;
	(pc) =	sbr.rel @!p1 .LBB2_23-.Ltmp4, $1  }
0x45: {  	_ =	sdelay $0x3  }
.LBB2_4:
0x46: {  	s20 =	sshllo.u32 s19, $0x1  }
0x47: {  	p1 =	sge.u32 s20, s6  }
0x48: {  	s21 =	sadd.s32 @!p1 s8, s20  }
0x49: {  	p2 =	seq.s32 @!p1 s19, $0x1E;
	s21 =	sshll.u32 @!p1 s21, $0x9  }
0x4a: {  	p2 =	por !p2, p1;
	s22 =	sand.u32 @!p1 $0x1FFFFE00, s21  }
0x4b: {  	s23 =	simm.s32 @!p1 $0x1000;
	s24 =	simm.s32 @!p1 $0x7A1400;
	s22 =	simm.s32 @!p2 $0xF4000  }
0x4c: {  	s25 =	simm.s32 @!p1 $0x18200;
	s21 =	sshll.u32 s19, $0x1;
	s22 =	sadd.s32 @!p1 s1, s22  }
0x4d: {  	[tilespmem:s25], [sflag:$0x2] =	stream.strided.gather @!p1 [hbm4b:s22+s23], $0x4000, s24, s23, $0x38;
	[tilespmem:$0x1D300] =	vst v63  }
.Ltmp5:
0x4e: {  	p2 =	sge.u32 s21, s6;
	(pc) =	sbr.rel @p0 .LBB2_11-.Ltmp5, $4  }
0x4f: {  	s22 =	simm.s32 @!p2 $0x1  }
0x50: {  	_ =	swait.ge @!p2 [sflag:s22], $0x4000  }
0x51: {  	[sflag:s22] =	ssyncset.done @!p2 $0x0  }
0x52: {  	[sflag:s22] =	ssyncadd.s32 @!p2 $0xFFFFC000  }
0x53: {  	s22 =	sadd.s32 s8, s21  }
0x54: {  	p2 =	seq.s32 s19, $0x1F;
	s22 =	sshll.u32 s22, $0x9  }
0x55: {  	s22 =	simm.s32 @p2 $0xF4080  }
0x56: {  	s23 =	sshrl.u32 s22, $0x7  }
0x57: {  	p3 =	slt.u32 s21, s6;
	s24 =	sadd.s32 $0x4, s23;
	s25 =	smov.u32 s23  }
0x58: {  	s25 =	smov.u32 @p3 s24;
	p3 =	seq.s32 s18, $0x1  }
.Ltmp6:
0x59: {  	_ = 	snop;
	(pc) =	sbr.rel @p3 .LBB2_6-.Ltmp6, $3  }
0x5a: {  	_ =	sdelay $0x1  }
0x5b: {  	s31 =	simm.s32 $0x4000;
	s23 =	simm.s32 @p2 $0x1E84;
	p2 =	por $0x0, $0x0  }
0x5c: {  	v9 =	vld [tilespmem:s31+$0x0];
	v7 =	vmov s23;
	s24 =	simm.s32 $0x8080;
	s23 =	simm.s32 $0x0;
	v8 =	vmov s25;
	s25 =	sadd.s32 $0xFFFFFFFF, s18  }
0x5d: {  	_ =	sdelay $0x3  }
0x5e: {  	v10 =	vshrl.u32 v9, $0x7  }
0x5f: {  	vm0 =	vge.u32 v10, v7;
	vm1 =	vlt.u32 v10, v8;
	v10 =	vor.u32 s23, v2  }
0x60: {  	vm0 =	vmand vm0, vm1;
	vm15 =	vlt.s32 v10, v5  }
0x61: {  	vm0 =	vmand vm15, vm0  }
0x62: {  	v10 =	vmpcnt.ones.xlane vm0  }
0x63: {  	v11 =	vld [tilespmem:s24+$0x0]  }
0x64: {  	p3 =	seq.s32 s25, $0x1;
	(v2sf) =	vpush v10, $0x0  }
.Ltmp7:
0x65: {  	_ = 	snop;
	(pc) =	sbr.rel @p3 .LBB2_15-.Ltmp7, $4  }
0x66: {  	_ = 	snop  }
0x67: {  	[tilespmem:s23+$0xC100] =	vst.msk vm0, v9  }
0x68: {  	s29 =	simm.s32 $0x4010;
	s30 =	sadd.s32 $0xFFFFFFFF, s25;
	p2 =	por $0x1, $0x1;
	[tilespmem:s23+$0x10180] =	vst.msk vm0, v11  }
0x69: {  	s28 =	simm.s32 $0x0;
	s25 =	simm.s32 $0x8080;
	s26 =	simm.s32 $0x0;
	v9 =	vld [tilespmem:s29+$0x0]  }
.LBB2_16:
0x6a: {  	p3 =	seq.s32 s30, $0x1;
	_ =	sdelay $0x3  }
0x6b: {  	s28 =	sadd.s32 $0x10, s28;
	v10 =	vshrl.u32 v9, $0x7  }
0x6c: {  	vm0 =	vge.u32 v10, v7;
	vm1 =	vlt.u32 v10, v8;
	v10 =	vor.u32 s28, v2  }
0x6d: {  	s25 =	sadd.s32 $0x10, s25;
	vm0 =	vmand vm0, vm1;
	vm1 =	vlt.s32 v10, v5  }
0x6e: {  	v10 =	vld [tilespmem:s25+$0x0];
	vm0 =	vmand vm1, vm0  }
0x6f: {  	v11 =	vmpcnt.ones.xlane vm0  }
0x70: {  	s31 =	spop (v2sf)  }
0x71: {  	(v2sf) =	vpush v11, $0x0;
	s26 =	sadd.s32 s26, s31  }
.Ltmp8:
0x72: {  	[tilespmem:s26+$0xC100] =	vst.msk vm0, v9;
	(pc) =	sbr.rel @!p3 .LBB2_16-.Ltmp8, $3  }
0x73: {  	[tilespmem:s26+$0x10180] =	vst.msk vm0, v10;
	_ =	sdelay $0x1  }
0x74: {  	s29 =	sadd.s32 $0x10, s29  }
0x75: {  	s30 =	sadd.s32 $0xFFFFFFFF, s30;
	v9 =	vld [tilespmem:s29+$0x0]  }
.LBB2_17:
0x76: {  	_ =	sdelay $0x2  }
0x77: {  	s28 =	sadd.s32 @p2 $0x10, s28;
	s29 =	simm.s32 $0x0  }
0x78: {  	s29 =	smov.u32 @p2 s28;
	v10 =	vshrl.u32 v9, $0x7  }
0x79: {  	vm0 =	vge.u32 v10, v7;
	vm1 =	vlt.u32 v10, v8;
	v7 =	vor.u32 s29, v2  }
0x7a: {  	vm0 =	vmand vm0, vm1;
	vm15 =	vlt.s32 v7, v5  }
0x7b: {  	vm0 =	vmand vm15, vm0  }
0x7c: {  	v7 =	vmpcnt.ones.xlane vm0;
	_ =	sdelay $0x1  }
0x7d: {  	(v2sf) =	vpush v7, $0x0;
	_ =	sdelay $0x8  }
0x7e: {  	s25 =	sadd.s32 @p2 $0x10, s25  }
0x7f: {  	s24 =	smov.u32 @p2 s25  }
0x80: {  	v7 =	vld [tilespmem:s24+$0x0]  }
0x81: {  	s24 =	spop @p2 (v2sf)  }
0x82: {  	s24 =	sadd.s32 @p2 s26, s24  }
0x83: {  	s23 =	smov.u32 @p2 s24  }
0x84: {  	[tilespmem:s23+$0xC100] =	vst.msk vm0, v9;
	s31 =	spop (v2sf)  }
0x85: {  	[tilespmem:s23+$0x10180] =	vst.msk vm0, v7;
	s23 =	sadd.s32 s23, s31  }
0x86: {  	p2 =	slt.s32 s23, $0x1  }
.Ltmp9:
0x87: {  	_ = 	snop;
	(pc) =	sbr.rel @p2 .LBB2_11-.Ltmp9, $1  }
0x88: {  	_ =	sdelay $0x3  }
0x89: {  	s25 =	simm.s32 $0xC100  }
0x8a: {  	v7 =	vld [tilespmem:s25+$0x0];
	_ =	sdelay $0x4  }
0x8b: {  	(v2sf) =	vpush v7, $0x0;
	_ =	sdelay $0xe  }
0x8c: {  	s31 =	spop (v2sf)  }
0x8d: {  	s25 =	ssub.s32 s31, s22  }
0x8e: {  	v7 =	vmov s25  }
0x8f: {  	v8 =	vshll.u32 v7, $0x3  }
0x90: {  	v7 =	vand.u32 $0x7F, v7;
	v8 =	vand.u32 $0xFFFFFC00, v8  }
0x91: {  	v7 =	vor.u32 v7, v8  }
0x92: {  	v8 =	vadd.s32 v3, v7  }
0x93: {  	v7 =	vadd.s32 v4, v7;
	_ =	sdelay $0x1  }
0x94: {  	s24 =	simm.s32 $0x10180  }
0x95: {  	v9 =	vld.msk [tilespmem:s24+$0x0 ss:$0x0], $0xffff  }
0x96: {  	s26 =	sshrl.u32 s17, $0x4;
	v8 =	vld.idx.msk [tilespmem:v8+s13+$0x0], $0xffff  }
0x97: {  	s24 =	sand.u32 $0x1, s26;
	s31 =	sand.u32 $0xF, s17;
	v7 =	vld.idx.msk [tilespmem:v7+s13+$0x0], $0xffff  }
0x98: {  	s23 =	sadd.s32 $0xFFFFFFFF, s23;
	s26 =	sshll.u32 s24, $0xB;
	p3 =	sne.s32 s31, $0xF  }
0x99: {  	s26 =	sor.u32 $0x1C200, s26;
	s28 =	sshll.u32 s31, $0x7;
	p2 =	slt.s32 @!p3 s17, $0x20  }
0x9a: {  	v10 =	vmov s31;
	s31 =	sadd.s32 s28, s26;
	p4 =	por p2, p3;
	p2 =	sne.s32 s23, $0x0  }
.Ltmp10:
0x9b: {  	vm0 =	veq.s32 v10, v2;
	[tilespmem:s31+$0x0] =	vst v8;
	(pc) =	sbr.rel @!p2 .LBB2_10-.Ltmp10, $4  }
0x9c: {  	s24 =	sshll.u32 @!p3 s24, $0x7;
	v6 =	vsel vm0, v9, v6;
	[tilespmem:s31+$0x10] =	vst v7  }
0x9d: {  	s29 =	simm.s32 @!p4 $0x3;
	[tilespmem:s24+$0x1D200] =	vst @!p3 v6  }
0x9e: {  	s25 =	simm.s32 $0x10181;
	s30 =	simm.s32 @!p3 $0x10;
	_ =	swait.ge @!p4 [sflag:s29], $0x800  }
0x9f: {  	s28 =	sor.u32 @!p3 $0x1D200, s24;
	s24 =	simm.s32 $0xC101;
	v6 =	vpsel !p3, $0x4000, v6;
	[sflag:s29] =	ssyncset.done @!p4 $0x0  }
.LBB2_9:
0xa0: {  	s23 =	sadd.s32 $0xFFFFFFFF, s23;
	[sflag:s29] =	ssyncadd.s32 @!p4 $0xFFFFF800;
	s17 =	sadd.s32 $0x1, s17  }
0xa1: {  	[hbm4b:s5+s30] =	stream.indirect.scatter @!p3 [tilespmem:s26], [sflag:$0x3], $0x80, s28, s30, $0xb8;
	[tilespmem:$0x1D300] =	vst v63  }
0xa2: {  	p2 =	sne.s32 s23, $0x0;
	v7 =	vld [tilespmem:s24+$0x0];
	_ =	sdelay $0x4  }
0xa3: {  	(v2sf) =	vpush v7, $0x0;
	_ =	sdelay $0xe  }
0xa4: {  	s26 =	spop (v2sf)  }
0xa5: {  	s26 =	ssub.s32 s26, s22  }
0xa6: {  	v7 =	vmov s26  }
0xa7: {  	v8 =	vshll.u32 v7, $0x3  }
0xa8: {  	v7 =	vand.u32 $0x7F, v7;
	v8 =	vand.u32 $0xFFFFFC00, v8  }
0xa9: {  	v7 =	vor.u32 v7, v8  }
0xaa: {  	v8 =	vadd.s32 v3, v7;
	v7 =	vadd.s32 v4, v7;
	_ =	sdelay $0x3  }
0xab: {  	v9 =	vld.msk [tilespmem:s25+$0x0 ss:$0x0], $0xffff  }
0xac: {  	v8 =	vld.idx.msk [tilespmem:v8+s13+$0x0], $0xffff  }
0xad: {  	s26 =	sshrl.u32 s17, $0x4;
	v7 =	vld.idx.msk [tilespmem:v7+s13+$0x0], $0xffff  }
0xae: {  	s28 =	sand.u32 $0x1, s26  }
0xaf: {  	s29 =	sand.u32 $0xF, s17;
	s26 =	sshll.u32 s28, $0xB  }
0xb0: {  	s30 =	sshll.u32 s29, $0x7;
	v10 =	vmov s29;
	p3 =	sne.s32 s29, $0xF;
	s26 =	sor.u32 $0x1C200, s26  }
0xb1: {  	vm0 =	veq.s32 v10, v2;
	p4 =	slt.s32 @!p3 s17, $0x20;
	s29 =	sadd.s32 s30, s26;
	s30 =	sshll.u32 @!p3 s28, $0x7  }
.Ltmp11:
0xb2: {  	p4 =	por p4, p3;
	s28 =	sor.u32 @!p3 $0x1D200, s30;
	[tilespmem:s29+$0x0] =	vst v8;
	v8 =	vsel vm0, v9, v6;
	(pc) =	sbr.rel @p2 .LBB2_9-.Ltmp11, $4  }
0xb3: {  	[tilespmem:s29+$0x10] =	vst v7;
	s29 =	simm.s32 @!p4 $0x3;
	v6 =	vpsel !p3, $0x4000, v8  }
0xb4: {  	[tilespmem:s30+$0x1D200] =	vst @!p3 v8  }
0xb5: {  	s24 =	sadd.s32 $0x1, s24;
	_ =	swait.ge @!p4 [sflag:s29], $0x800  }
0xb6: {  	s25 =	sadd.s32 $0x1, s25;
	s30 =	simm.s32 @!p3 $0x10;
	[sflag:s29] =	ssyncset.done @!p4 $0x0  }
.LBB2_10:
0xb7: {  	[sflag:s29] =	ssyncadd.s32 @!p4 $0xFFFFF800;
	s17 =	sadd.s32 $0x1, s17  }
0xb8: {  	[hbm4b:s5+s30] =	stream.indirect.scatter @!p3 [tilespmem:s26], [sflag:$0x3], $0x80, s28, s30, $0xb8;
	[tilespmem:$0x1D300] =	vst v63  }
.LBB2_11:
0xb9: {  	s21 =	sadd.s32 $0x2, s21  }
0xba: {  	p2 =	sge.u32 s21, s6  }
0xbb: {  	s22 =	sadd.s32 @!p2 s8, s21  }
0xbc: {  	p3 =	seq.s32 @!p2 s21, $0x3E;
	s21 =	sshll.u32 @!p2 s22, $0x9  }
0xbd: {  	p3 =	por !p3, p2;
	s21 =	sand.u32 @!p2 $0x1FFFFE00, s21  }
0xbe: {  	s23 =	simm.s32 @!p2 $0x7A1400;
	s21 =	simm.s32 @!p3 $0xF4080  }
0xbf: {  	s24 =	simm.s32 @!p2 $0x14200;
	s22 =	simm.s32 @!p2 $0x1000;
	s21 =	sadd.s32 @!p2 s1, s21  }
0xc0: {  	[tilespmem:s24], [sflag:$0x1] =	stream.strided.gather @!p2 [hbm4b:s21+s22], $0x4000, s23, s22, $0x38;
	[tilespmem:$0x1D300] =	vst v63  }
.Ltmp12:
0xc1: {  	_ = 	snop;
	(pc) =	sbr.rel @p0 .LBB2_22-.Ltmp12, $4  }
0xc2: {  	s21 =	simm.s32 @!p1 $0x2  }
0xc3: {  	_ =	swait.ge @!p1 [sflag:s21], $0x4000  }
0xc4: {  	[sflag:s21] =	ssyncset.done @!p1 $0x0  }
0xc5: {  	[sflag:s21] =	ssyncadd.s32 @!p1 $0xFFFFC000  }
0xc6: {  	s21 =	sadd.s32 s8, s20  }
0xc7: {  	p1 =	seq.s32 s19, $0x1E;
	p2 =	seq.s32 s18, $0x1;
	s21 =	sshll.u32 s21, $0x9  }
.Ltmp13:
0xc8: {  	s21 =	simm.s32 @p1 $0xF4000;
	(pc) =	sbr.rel @p2 .LBB2_13-.Ltmp13, $4  }
0xc9: {  	s22 =	sshrl.u32 s21, $0x7  }
0xca: {  	s23 =	simm.s32 $0x4000;
	p1 =	slt.u32 s20, s6;
	s20 =	sadd.s32 $0x4, s22  }
0xcb: {  	v9 =	vld [tilespmem:s23+$0x0];
	s23 =	sadd.s32 $0xFFFFFFFF, s18;
	v7 =	vmov s22;
	s22 =	smov.u32 @p1 s20  }
0xcc: {  	s20 =	simm.s32 $0x0;
	p1 =	por $0x0, $0x0;
	v8 =	vmov s22;
	s22 =	simm.s32 $0x8080  }
0xcd: {  	_ =	sdelay $0x2  }
0xce: {  	v10 =	vshrl.u32 v9, $0x7  }
0xcf: {  	vm0 =	vge.u32 v10, v7;
	vm1 =	vlt.u32 v10, v8;
	v10 =	vor.u32 s20, v2  }
0xd0: {  	vm0 =	vmand vm0, vm1;
	vm15 =	vlt.s32 v10, v5  }
0xd1: {  	vm0 =	vmand vm15, vm0  }
0xd2: {  	v10 =	vmpcnt.ones.xlane vm0  }
0xd3: {  	v11 =	vld [tilespmem:s22+$0x0]  }
0xd4: {  	p2 =	seq.s32 s23, $0x1;
	(v2sf) =	vpush v10, $0x0  }
.Ltmp14:
0xd5: {  	_ = 	snop;
	(pc) =	sbr.rel @p2 .LBB2_30-.Ltmp14, $4  }
0xd6: {  	_ = 	snop  }
0xd7: {  	[tilespmem:s20+$0xC100] =	vst.msk vm0, v9  }
0xd8: {  	s26 =	simm.s32 $0x4010;
	s28 =	sadd.s32 $0xFFFFFFFF, s23;
	p1 =	por $0x1, $0x1;
	[tilespmem:s20+$0x10180] =	vst.msk vm0, v11  }
0xd9: {  	s25 =	simm.s32 $0x0;
	s23 =	simm.s32 $0x8080;
	s24 =	simm.s32 $0x0;
	v9 =	vld [tilespmem:s26+$0x0]  }
.LBB2_31:
0xda: {  	p2 =	seq.s32 s28, $0x1;
	_ =	sdelay $0x3  }
0xdb: {  	s25 =	sadd.s32 $0x10, s25;
	v10 =	vshrl.u32 v9, $0x7  }
0xdc: {  	vm0 =	vge.u32 v10, v7;
	vm1 =	vlt.u32 v10, v8;
	v10 =	vor.u32 s25, v2  }
0xdd: {  	s23 =	sadd.s32 $0x10, s23;
	vm0 =	vmand vm0, vm1;
	vm1 =	vlt.s32 v10, v5  }
0xde: {  	v10 =	vld [tilespmem:s23+$0x0];
	vm0 =	vmand vm1, vm0  }
0xdf: {  	v11 =	vmpcnt.ones.xlane vm0  }
0xe0: {  	s29 =	spop (v2sf)  }
0xe1: {  	(v2sf) =	vpush v11, $0x0;
	s24 =	sadd.s32 s24, s29  }
.Ltmp15:
0xe2: {  	[tilespmem:s24+$0xC100] =	vst.msk vm0, v9;
	(pc) =	sbr.rel @!p2 .LBB2_31-.Ltmp15, $3  }
0xe3: {  	[tilespmem:s24+$0x10180] =	vst.msk vm0, v10;
	_ =	sdelay $0x1  }
0xe4: {  	s26 =	sadd.s32 $0x10, s26  }
0xe5: {  	s28 =	sadd.s32 $0xFFFFFFFF, s28;
	v9 =	vld [tilespmem:s26+$0x0]  }
.LBB2_32:
0xe6: {  	_ =	sdelay $0x2  }
0xe7: {  	s25 =	sadd.s32 @p1 $0x10, s25;
	s26 =	simm.s32 $0x0  }
0xe8: {  	s26 =	smov.u32 @p1 s25;
	v10 =	vshrl.u32 v9, $0x7  }
0xe9: {  	vm0 =	vge.u32 v10, v7;
	vm1 =	vlt.u32 v10, v8;
	v7 =	vor.u32 s26, v2  }
0xea: {  	vm0 =	vmand vm0, vm1;
	vm15 =	vlt.s32 v7, v5  }
0xeb: {  	vm0 =	vmand vm15, vm0  }
0xec: {  	v7 =	vmpcnt.ones.xlane vm0;
	_ =	sdelay $0x1  }
0xed: {  	(v2sf) =	vpush v7, $0x0;
	_ =	sdelay $0x8  }
0xee: {  	s23 =	sadd.s32 @p1 $0x10, s23  }
0xef: {  	s22 =	smov.u32 @p1 s23  }
0xf0: {  	v7 =	vld [tilespmem:s22+$0x0]  }
0xf1: {  	s22 =	spop @p1 (v2sf)  }
0xf2: {  	s22 =	sadd.s32 @p1 s24, s22  }
0xf3: {  	s20 =	smov.u32 @p1 s22  }
0xf4: {  	[tilespmem:s20+$0xC100] =	vst.msk vm0, v9;
	s31 =	spop (v2sf)  }
0xf5: {  	[tilespmem:s20+$0x10180] =	vst.msk vm0, v7;
	s20 =	sadd.s32 s20, s31  }
0xf6: {  	p1 =	slt.s32 s20, $0x1  }
.Ltmp16:
0xf7: {  	_ = 	snop;
	(pc) =	sbr.rel @p1 .LBB2_22-.Ltmp16, $1  }
0xf8: {  	_ =	sdelay $0x3  }
0xf9: {  	s23 =	simm.s32 $0xC100  }
0xfa: {  	v7 =	vld [tilespmem:s23+$0x0];
	_ =	sdelay $0x4  }
0xfb: {  	(v2sf) =	vpush v7, $0x0;
	_ =	sdelay $0xe  }
0xfc: {  	s26 =	spop (v2sf)  }
0xfd: {  	s23 =	ssub.s32 s26, s21  }
0xfe: {  	v7 =	vmov s23  }
0xff: {  	v8 =	vshll.u32 v7, $0x3  }
0x100: {  	v7 =	vand.u32 $0x7F, v7;
	v8 =	vand.u32 $0xFFFFFC00, v8  }
0x101: {  	v7 =	vor.u32 v7, v8  }
0x102: {  	v8 =	vadd.s32 v3, v7  }
0x103: {  	v7 =	vadd.s32 v4, v7;
	_ =	sdelay $0x1  }
0x104: {  	s22 =	simm.s32 $0x10180  }
0x105: {  	v9 =	vld.msk [tilespmem:s22+$0x0 ss:$0x0], $0xffff  }
0x106: {  	s29 =	sshrl.u32 s17, $0x4;
	v8 =	vld.idx.msk [tilespmem:v8+s15+$0x0], $0xffff  }
0x107: {  	s30 =	sand.u32 $0xF, s17;
	s22 =	sand.u32 $0x1, s29;
	v7 =	vld.idx.msk [tilespmem:v7+s15+$0x0], $0xffff  }
0x108: {  	s20 =	sadd.s32 $0xFFFFFFFF, s20;
	p2 =	sne.s32 s30, $0xF;
	s24 =	sshll.u32 s22, $0xB  }
0x109: {  	s25 =	sshll.u32 s30, $0x7;
	p1 =	slt.s32 @!p2 s17, $0x20;
	s24 =	sor.u32 $0x1C200, s24  }
0x10a: {  	v10 =	vmov s30;
	p3 =	por p1, p2;
	p1 =	sne.s32 s20, $0x0;
	s31 =	sadd.s32 s25, s24  }
.Ltmp17:
0x10b: {  	vm0 =	veq.s32 v10, v2;
	[tilespmem:s31+$0x0] =	vst v8;
	(pc) =	sbr.rel @!p1 .LBB2_21-.Ltmp17, $4  }
0x10c: {  	s22 =	sshll.u32 @!p2 s22, $0x7;
	v6 =	vsel vm0, v9, v6;
	[tilespmem:s31+$0x10] =	vst v7  }
0x10d: {  	s26 =	simm.s32 @!p3 $0x3;
	[tilespmem:s22+$0x1D200] =	vst @!p2 v6  }
0x10e: {  	s28 =	simm.s32 @!p2 $0x10;
	s25 =	sor.u32 @!p2 $0x1D200, s22;
	_ =	swait.ge @!p3 [sflag:s26], $0x800  }
0x10f: {  	s23 =	simm.s32 $0x10181;
	s22 =	simm.s32 $0xC101;
	v6 =	vpsel !p2, $0x4000, v6;
	[sflag:s26] =	ssyncset.done @!p3 $0x0  }
.LBB2_20:
0x110: {  	s20 =	sadd.s32 $0xFFFFFFFF, s20;
	[sflag:s26] =	ssyncadd.s32 @!p3 $0xFFFFF800;
	s17 =	sadd.s32 $0x1, s17  }
0x111: {  	[hbm4b:s5+s28] =	stream.indirect.scatter @!p2 [tilespmem:s24], [sflag:$0x3], $0x80, s25, s28, $0xb8;
	[tilespmem:$0x1D300] =	vst v63  }
0x112: {  	p1 =	sne.s32 s20, $0x0;
	v7 =	vld [tilespmem:s22+$0x0];
	_ =	sdelay $0x4  }
0x113: {  	(v2sf) =	vpush v7, $0x0;
	_ =	sdelay $0xe  }
0x114: {  	s24 =	spop (v2sf)  }
0x115: {  	s24 =	ssub.s32 s24, s21  }
0x116: {  	v7 =	vmov s24  }
0x117: {  	v8 =	vshll.u32 v7, $0x3  }
0x118: {  	v7 =	vand.u32 $0x7F, v7;
	v8 =	vand.u32 $0xFFFFFC00, v8  }
0x119: {  	v7 =	vor.u32 v7, v8  }
0x11a: {  	v8 =	vadd.s32 v3, v7;
	v7 =	vadd.s32 v4, v7;
	_ =	sdelay $0x3  }
0x11b: {  	v9 =	vld.msk [tilespmem:s23+$0x0 ss:$0x0], $0xffff  }
0x11c: {  	v8 =	vld.idx.msk [tilespmem:v8+s15+$0x0], $0xffff  }
0x11d: {  	s24 =	sshrl.u32 s17, $0x4;
	v7 =	vld.idx.msk [tilespmem:v7+s15+$0x0], $0xffff  }
0x11e: {  	s25 =	sand.u32 $0x1, s24  }
0x11f: {  	s26 =	sand.u32 $0xF, s17;
	s24 =	sshll.u32 s25, $0xB  }
0x120: {  	s28 =	sshll.u32 s26, $0x7;
	v10 =	vmov s26;
	p2 =	sne.s32 s26, $0xF;
	s24 =	sor.u32 $0x1C200, s24  }
0x121: {  	vm0 =	veq.s32 v10, v2;
	p3 =	slt.s32 @!p2 s17, $0x20;
	s26 =	sadd.s32 s28, s24;
	s28 =	sshll.u32 @!p2 s25, $0x7  }
.Ltmp18:
0x122: {  	p3 =	por p3, p2;
	s25 =	sor.u32 @!p2 $0x1D200, s28;
	[tilespmem:s26+$0x0] =	vst v8;
	v8 =	vsel vm0, v9, v6;
	(pc) =	sbr.rel @p1 .LBB2_20-.Ltmp18, $4  }
0x123: {  	[tilespmem:s26+$0x10] =	vst v7;
	s26 =	simm.s32 @!p3 $0x3;
	v6 =	vpsel !p2, $0x4000, v8  }
0x124: {  	[tilespmem:s28+$0x1D200] =	vst @!p2 v8  }
0x125: {  	s22 =	sadd.s32 $0x1, s22;
	_ =	swait.ge @!p3 [sflag:s26], $0x800  }
0x126: {  	s23 =	sadd.s32 $0x1, s23;
	s28 =	simm.s32 @!p2 $0x10;
	[sflag:s26] =	ssyncset.done @!p3 $0x0  }
.Ltmp19:
0x127: {  	_ = 	snop;
	(pc) =	sbr.rel .LBB2_21-.Ltmp19, $1  }
0x128: {  	_ =	sdelay $0x3  }
.LBB2_6:
.Ltmp20:
0x129: {  	(pc) =	sbr.rel .LBB2_17-.Ltmp20, $2  }
0x12a: {  	_ =	sdelay $0x2  }
0x12b: {  	s28 =	simm.s32 $0x0;
	s25 =	simm.s32 $0x8080;
	s26 =	simm.s32 $0x0  }
.LBB2_13:
.Ltmp21:
0x12c: {  	(pc) =	sbr.rel .LBB2_32-.Ltmp21, $2  }
0x12d: {  	_ =	sdelay $0x2  }
0x12e: {  	s25 =	simm.s32 $0x0;
	s23 =	simm.s32 $0x8080;
	s24 =	simm.s32 $0x0  }
.LBB2_15:
.Ltmp22:
0x12f: {  	(pc) =	sbr.rel .LBB2_17-.Ltmp22, $2  }
0x130: {  	_ =	sdelay $0x2  }
0x131: {  	s28 =	simm.s32 $0x0;
	s25 =	simm.s32 $0x8080;
	s26 =	simm.s32 $0x0  }
.LBB2_30:
.Ltmp23:
0x132: {  	(pc) =	sbr.rel .LBB2_32-.Ltmp23, $2  }
0x133: {  	_ =	sdelay $0x2  }
0x134: {  	s25 =	simm.s32 $0x0;
	s23 =	simm.s32 $0x8080;
	s24 =	simm.s32 $0x0  }
.LBB2_23:
0x135: {  	s18 =	sand.u32 $0xF, s17  }
0x136: {  	p0 =	seq.s32 s18, $0x0  }
0x137: {  	s18 =	sshrl.u32 @!p0 s17, $0x4  }
0x138: {  	p1 =	slt.u32 @!p0 s17, $0x20;
	s18 =	sand.u32 @!p0 $0x1, s18  }
0x139: {  	p1 =	por p1, p0;
	s19 =	sshll.u32 @!p0 s18, $0x7  }
0x13a: {  	s31 =	sadd.s32 $0xF, s17;
	s20 =	simm.s32 @!p1 $0x3;
	[tilespmem:s19+$0x1D200] =	vst @!p0 v6  }
0x13b: {  	s17 =	sshrl.u32 s31, $0x4;
	_ =	swait.ge @!p1 [sflag:s20], $0x800  }
0x13c: {  	s18 =	sshll.u32 @!p0 s18, $0xB;
	s19 =	sor.u32 @!p0 $0x1D200, s19;
	[sflag:s20] =	ssyncset.done @!p1 $0x0  }
0x13d: {  	s18 =	sor.u32 @!p0 $0x1C200, s18;
	[sflag:s20] =	ssyncadd.s32 @!p1 $0xFFFFF800;
	s20 =	simm.s32 @!p0 $0x10  }
0x13e: {  	[hbm4b:s5+s20] =	stream.indirect.scatter @!p0 [tilespmem:s18], [sflag:$0x3], $0x80, s19, s20, $0xb8;
	[tilespmem:$0x1D300] =	vst v63  }
0x13f: {  	p0 =	seq.s32 s17, $0x0  }
.Ltmp24:
0x140: {  	_ = 	snop;
	(pc) =	sbr.rel @p0 .LBB2_27-.Ltmp24, $1  }
0x141: {  	_ =	sdelay $0x3  }
0x142: {  	s17 =	smin.u32 s17, $0x2  }
0x143: {  	p0 =	sne.s32 s17, $0x1  }
.Ltmp25:
0x144: {  	_ = 	snop;
	(pc) =	sbr.rel @!p0 .LBB2_26-.Ltmp25, $3  }
0x145: {  	_ =	sdelay $0x1  }
0x146: {  	_ =	swait.ge [sflag:s14], $0x800  }
0x147: {  	s17 =	sadd.s32 $0xFFFFFFFF, s17;
	[sflag:s14] =	ssyncset.done $0x0  }
.LBB2_25:
0x148: {  	p0 =	sne.s32 s17, $0x1;
	s17 =	sadd.s32 $0xFFFFFFFF, s17;
	[sflag:s14] =	ssyncadd.s32 $0xFFFFF800  }
.Ltmp26:
0x149: {  	(pc) =	sbr.rel @p0 .LBB2_25-.Ltmp26, $3  }
0x14a: {  	_ =	sdelay $0x1  }
0x14b: {  	_ =	swait.ge [sflag:s14], $0x800  }
0x14c: {  	[sflag:s14] =	ssyncset.done $0x0  }
.Ltmp27:
0x14d: {  	_ = 	snop;
	(pc) =	sbr.rel .LBB2_26-.Ltmp27, $1  }
0x14e: {  	_ =	sdelay $0x3  }
.LBB2_28:
0x14f: {  	_ =	sfence.sel $0x180000  }
0x150: {  	[bflag:$0x0] =	sbarrier.arrive $0xFFFF  }
0x151: {  	p0 =	sne.s32 s0, $0x0;
	_ =	strace $0x90000047  }
0x152: {  	s0 =	sadd.s32 @!p0 $0x100000, s3;
	[bflag:$0x2] =	sbarrier.arrive $0xFFFF  }
0x153: {  	[sflag:s0] =	ssyncadd.tile.s32 @!p0 $0x1;
	_ =	shalt  }
.Lfunc_end2:
_tile_overlayer_lowered:
.L_overlay_start_2:
0x154: {  	(tag) =	ssettag $0x2  }
0x155: {  	s0 =	rddreg [dreg:$0x0];
	s2 =	stileid.u32  }
0x156: {  	s1 =	rddreg [dreg:$0x1];
	p0 =	sne.s32 s2, $0x0  }
0x157: {  	s3 =	rddreg [dreg:$0x2];
	[bflag:$0x3] =	sbarrier.arrive $0xFFFF;
	s2 =	simm.s32 @!p0 $0x1C04  }
0x158: {  	[timem:s3], [sflag:s2] =	dma.local @!p0 [hbm:s0], s1  }
0x159: {  	s0 =	simm.s32 @!p0 $0x4  }
0x15a: {  	_ =	swait.ge @!p0 [sflag:s0], s1  }
0x15b: {  	s1 =	ssub.s32 @!p0 $0x0, s1;
	[sflag:s0] =	ssyncset.done @!p0 $0x0  }
0x15c: {  	[sflag:s0] =	ssyncadd.s32 @!p0 s1  }
0x15d: {  	[bflag:$0x3] =	sbarrier.arrive $0xFFFF  }
0x15e: {  	_ =	shalt  }

</sc_bundles>
